<compile_context>
chip_gen: v7x
topology: tpu7x:2x2x1
jax: 0.10.2.dev20260603
libtpu: 0.0.44.dev20260713+nightly
codegen_flags: <defaults>
</compile_context>

<pallas_src>
import functools

import jax
import jax.numpy as jnp
from jax import lax
from jax.experimental import pallas as pl
from jax.experimental.pallas import tpu as pltpu
from jax.experimental.pallas import tpu_sc as plsc

_B, _F, _V, _D = 4096, 26, 100000, 16
_R = _F * _D
_NC, _NS = 2, 16
_NW = _NC * _NS
_RPW = _R // _NW
_LANES = 16


def _make_gather_body(fa16, rpw):
    def body(emb_hbm, svt_hbm, embt_out, vrows_v, rows_v, sem):
        wid = lax.axis_index("s") * _NC + lax.axis_index("c")
        r0 = wid * rpw
        f0 = (fa16 + r0) // _D
        pltpu.sync_copy(svt_hbm.at[f0], vrows_v.at[0])
        f1 = (fa16 + r0 + rpw - 1) // _D
        pltpu.sync_copy(svt_hbm.at[f1], vrows_v.at[1])

        def fire(k, _):
            r = r0 + k
            sel = (fa16 + r) // _D - f0
            pltpu.make_async_copy(
                emb_hbm.at[pl.ds(r * _V, _V)].at[vrows_v.at[sel]],
                rows_v.at[k], sem).start()
            return 0

        lax.fori_loop(0, rpw, fire, 0)

        def drain(k, _):
            r = r0 + k
            sel = (fa16 + r) // _D - f0
            pltpu.make_async_copy(
                emb_hbm.at[pl.ds(r * _V, _V)].at[vrows_v.at[sel]],
                rows_v.at[k], sem).wait()
            return 0

        lax.fori_loop(0, rpw, drain, 0)
        pltpu.sync_copy(rows_v, embt_out.at[pl.ds(r0, rpw)])

    return body


def _lin_gather_body(lin_hbm, svt_hbm, lint_out, vrow_v, lrow_v, sem):
    wid = lax.axis_index("s") * _NC + lax.axis_index("c")

    @pl.when(wid < _F)
    def _():
        pltpu.sync_copy(svt_hbm.at[wid], vrow_v)
        cp = pltpu.make_async_copy(
            lin_hbm.at[pl.ds(wid * _V, _V)].at[vrow_v], lrow_v, sem)
        cp.start()
        cp.wait()
        pltpu.sync_copy(lrow_v, lint_out.at[wid])


def _sc_gather_chunk(emb_flat_chunk, svt, fa, rpw):
    mesh = plsc.VectorSubcoreMesh(core_axis_name="c", subcore_axis_name="s")
    f = pl.kernel(
        _make_gather_body(fa * _D, rpw),
        out_type=jax.ShapeDtypeStruct((_NW * rpw, _B), jnp.float32),
        mesh=mesh,
        scratch_types=[
            pltpu.VMEM((2, _B), jnp.int32),
            pltpu.VMEM((rpw, _B), jnp.float32),
            pltpu.SemaphoreType.DMA,
        ],
        compiler_params=pltpu.CompilerParams(use_tc_tiling_on_sc=False),
    )
    return f(emb_flat_chunk, svt)


def _sc_lin_gather(lin_flat, svt):
    mesh = plsc.VectorSubcoreMesh(core_axis_name="c", subcore_axis_name="s")
    f = pl.kernel(
        _lin_gather_body,
        out_type=jax.ShapeDtypeStruct((_F, _B), jnp.float32),
        mesh=mesh,
        scratch_types=[
            pltpu.VMEM((_B,), jnp.int32),
            pltpu.VMEM((_B,), jnp.float32),
            pltpu.SemaphoreType.DMA,
        ],
        compiler_params=pltpu.CompilerParams(use_tc_tiling_on_sc=False),
    )
    return f(lin_flat, svt)


def _dense_body(xt_ref, lt_ref, st_ref, w1_ref, b1_ref, w2_ref, b2_ref,
                w3_ref, b3_ref, wo_ref, bo_ref, out_ref):
    x = xt_ref[...]
    t = jnp.dot(st_ref[...], x, preferred_element_type=jnp.float32)
    fm = 0.5 * (jnp.sum(t * t, axis=0, keepdims=True)
                - jnp.sum(x * x, axis=0, keepdims=True))
    linear = jnp.sum(lt_ref[...], axis=0, keepdims=True)
    h = jnp.maximum(
        jnp.dot(w1_ref[...], x, preferred_element_type=jnp.float32)
        + b1_ref[...], 0.0)
    h = jnp.maximum(
        jnp.dot(w2_ref[...], h, preferred_element_type=jnp.float32)
        + b2_ref[...], 0.0)
    h = jnp.maximum(
        jnp.dot(w3_ref[...], h, preferred_element_type=jnp.float32)
        + b3_ref[...], 0.0)
    dnn = jnp.sum(h * wo_ref[...], axis=0, keepdims=True)
    out_ref[...] = jax.nn.sigmoid(linear + fm + dnn + bo_ref[...])


def _tc_dense(xt, lt, st, w1t, b1, w2t, b2, w3t, b3, wo, bo, bn=1024):
    grid = (_B // bn,)
    full = lambda shape: pl.BlockSpec(shape, lambda i: (0, 0))
    return pl.pallas_call(
        _dense_body,
        grid=grid,
        in_specs=[
            pl.BlockSpec((_R, bn), lambda i: (0, i)),
            pl.BlockSpec((_F, bn), lambda i: (0, i)),
            full((_D, _R)),
            full((256, _R)),
            full((256, 1)),
            full((128, 256)),
            full((128, 1)),
            full((64, 128)),
            full((64, 1)),
            full((64, 1)),
            full((1, 1)),
        ],
        out_specs=pl.BlockSpec((1, bn), lambda i: (0, i)),
        out_shape=jax.ShapeDtypeStruct((1, _B), jnp.float32),
    )(xt, lt, st, w1t, b1, w2t, b2, w3t, b3, wo, bo)


def kernel(sparse_features, embed_tables, linear_tables,
           W1, b1, g1, be1, W2, b2, g2, be2, W3, b3, g3, be3, Wo, bo):
    lin_flat = linear_tables.reshape(_F * _V)
    svt = jnp.transpose(sparse_features).astype(jnp.int32)

    emb_flat = jnp.transpose(embed_tables, (0, 2, 1)).reshape(_R * _V)
    xt = _sc_gather_chunk(emb_flat, svt, 0, _RPW)
    lt = _sc_lin_gather(lin_flat, svt)

    st = jnp.tile(jnp.eye(_D, dtype=jnp.float32), (1, _F))
    inv = 1.0 / jnp.sqrt(jnp.float32(1.0 + 1e-5))
    s1, s2, s3 = g1 * inv, g2 * inv, g3 * inv
    w1t = (W1 * s1[None, :]).T
    b1f = (b1 * s1 + be1)[:, None]
    w2t = (W2 * s2[None, :]).T
    b2f = (b2 * s2 + be2)[:, None]
    w3t = (W3 * s3[None, :]).T
    b3f = (b3 * s3 + be3)[:, None]

    out = _tc_dense(xt, lt, st, w1t, b1f, w2t, b2f, w3t, b3f,
                    Wo, bo.reshape(1, 1))
    return out.reshape(_B)

# --- scband reference (transcript-rebuilt; emitter-appended) ---
"""Pipeline reference for scband-deep-fm-38611755991212 (READ-ONLY COPY).

The authoritative reference and input builder live on the scoring server;
editing this copy changes nothing except your own understanding.
"""

import jax, jax.numpy as jnp
import numpy as np

B = 4096
F = 26
V = 100000
D = 16
H = [256, 128, 64]


def setup_inputs(seed: int = 0) -> dict:
    key = jax.random.key(seed)
    ks = jax.random.split(key, 20)
    sparse_features = jax.random.randint(ks[0], (B, F), 0, V)
    embed_tables = jax.random.normal(ks[1], (F, V, D), dtype=jnp.float32) * 0.01
    linear_tables = jax.random.normal(ks[2], (F, V, 1), dtype=jnp.float32) * 0.01
    d_in = F * D
    W1 = jax.random.normal(ks[3], (d_in, H[0]), dtype=jnp.float32) * 0.05
    b1 = jnp.zeros((H[0],), dtype=jnp.float32)
    g1 = jnp.ones((H[0],), dtype=jnp.float32)
    be1 = jnp.zeros((H[0],), dtype=jnp.float32)
    W2 = jax.random.normal(ks[4], (H[0], H[1]), dtype=jnp.float32) * 0.05
    b2 = jnp.zeros((H[1],), dtype=jnp.float32)
    g2 = jnp.ones((H[1],), dtype=jnp.float32)
    be2 = jnp.zeros((H[1],), dtype=jnp.float32)
    W3 = jax.random.normal(ks[5], (H[1], H[2]), dtype=jnp.float32) * 0.05
    b3 = jnp.zeros((H[2],), dtype=jnp.float32)
    g3 = jnp.ones((H[2],), dtype=jnp.float32)
    be3 = jnp.zeros((H[2],), dtype=jnp.float32)
    Wo = jax.random.normal(ks[6], (H[2], 1), dtype=jnp.float32) * 0.05
    bo = jnp.zeros((1,), dtype=jnp.float32)
    return {"sparse_features": sparse_features, "embed_tables": embed_tables,
            "linear_tables": linear_tables, "W1": W1, "b1": b1, "g1": g1, "be1": be1,
            "W2": W2, "b2": b2, "g2": g2, "be2": be2,
            "W3": W3, "b3": b3, "g3": g3, "be3": be3, "Wo": Wo, "bo": bo}


def _bn(x, g, b):
    # eval-mode BatchNorm1d with running_mean=0, running_var=1, eps=1e-5
    return (x / jnp.sqrt(1.0 + 1e-5)) * g + b


def reference(sparse_features, embed_tables, linear_tables,
              W1, b1, g1, be1, W2, b2, g2, be2, W3, b3, g3, be3, Wo, bo):
    # per-field embedding gather via flattened table + offset indices
    offsets = jnp.arange(F, dtype=sparse_features.dtype)[None, :] * V
    idx = sparse_features + offsets  # [B, F]
    emb = jnp.take(embed_tables.reshape(F * V, D), idx, axis=0)        # [B, F, D]
    lin = jnp.take(linear_tables.reshape(F * V, 1), idx, axis=0)       # [B, F, 1]
    linear_output = lin.sum(axis=1)                                    # [B, 1]
    # FM second-order interactions
    square_of_sum = jnp.square(emb.sum(axis=1))                        # [B, D]
    sum_of_square = jnp.square(emb).sum(axis=1)                        # [B, D]
    fm_output = (0.5 * (square_of_sum - sum_of_square)).sum(axis=1, keepdims=True)  # [B, 1]
    # DNN (dropout is identity in eval mode)
    x = emb.reshape(emb.shape[0], -1)                                  # [B, F*D]
    x = jax.nn.relu(_bn(x @ W1 + b1, g1, be1))
    x = jax.nn.relu(_bn(x @ W2 + b2, g2, be2))
    x = jax.nn.relu(_bn(x @ W3 + b3, g3, be3))
    dnn_output = x @ Wo + bo                                           # [B, 1]
    out = linear_output + fm_output + dnn_output
    return jax.nn.sigmoid(out.squeeze(-1))                             # [B]

if __name__ == "__main__":
    import jax
    _d = setup_inputs()
    print(jax.jit(kernel)(*tuple(_d.values())))

</pallas_src>

<mosaic_0001>
#map = affine_map<(d0, d1) -> (0)>
#map1 = affine_map<(d0, d1) -> (0, 0)>
module attributes {stable_mosaic.version = 14 : i64} {
  func.func @_lin_gather_body(%arg0: i32, %arg1: i32, %arg2: memref<2600000xf32, #tpu.memory_space<hbm>>, %arg3: memref<26x4096xi32, #tpu.memory_space<hbm>>, %arg4: memref<26x4096xf32, #tpu.memory_space<hbm>>, %arg5: memref<4096xi32, #tpu.memory_space<vmem>>, %arg6: memref<4096xf32, #tpu.memory_space<vmem>>, %arg7: memref<!tpu.dma_semaphore, #tpu.memory_space<semaphore_mem>>) attributes {dimension_semantics = [#tpu.dimension_semantics<core_parallel>, #tpu.dimension_semantics<subcore_parallel>], iteration_bounds = array<i64: 2, 16>, scalar_prefetch = 0 : i64, scratch_operands = 3 : i64, tpu.core_type = #tpu.core_type<sc_vector_subcore>, window_params = [{transform_indices = #map}, {transform_indices = #map1}, {transform_indices = #map1}]} {
    %mul3A = arith.constant 2 : i32
    %mul3A_0 = arith.muli %arg1, %mul3A : i32
    %add3A = arith.addi %mul3A_0, %arg0 : i32
    %lt3A = arith.constant 26 : i32
    %lt3A_1 = arith.cmpi slt, %add3A, %lt3A : i32
    %convert_element_type3A = arith.extui %lt3A_1 : i1 to i32
    %cond3A = arith.constant 0 : i32
    %cond3A_2 = arith.cmpi ne, %convert_element_type3A, %cond3A : i32
    scf.if %cond3A_2 {
      "tpu.region"() ({
        %run_scoped3A = tpu.sem_alloc : memref<!tpu.dma_semaphore, #tpu.memory_space<semaphore_mem>>
        %dma_start3A_9 = arith.constant 0 : i32
        %dma_start3A_10 = tpu.memref_slice %arg3[%add3A, %dma_start3A_9] : memref<26x4096xi32, #tpu.memory_space<hbm>> -> memref<1x4096xi32, #tpu.memory_space<hbm>>
        %dma_start3A_11 = tpu.memref_squeeze %dma_start3A_10 : memref<1x4096xi32, #tpu.memory_space<hbm>> -> memref<4096xi32, #tpu.memory_space<hbm>>
        %dma_start3A_12 = arith.constant 0 : i32
        %dma_start3A_13 = tpu.memref_slice %arg3[%add3A, %dma_start3A_12] : memref<26x4096xi32, #tpu.memory_space<hbm>> -> memref<1x4096xi32, #tpu.memory_space<hbm>>
        %dma_start3A_14 = tpu.memref_squeeze %dma_start3A_13 : memref<1x4096xi32, #tpu.memory_space<hbm>> -> memref<4096xi32, #tpu.memory_space<hbm>>
        tpu.enqueue_dma source(%dma_start3A_14 : memref<4096xi32, #tpu.memory_space<hbm>>) target(%arg5 : memref<4096xi32, #tpu.memory_space<vmem>>) target_semaphore(%run_scoped3A : memref<!tpu.dma_semaphore, #tpu.memory_space<semaphore_mem>>)
        %dma_wait3A_15 = arith.constant 0 : i32
        %dma_wait3A_16 = tpu.memref_slice %arg3[%add3A, %dma_wait3A_15] : memref<26x4096xi32, #tpu.memory_space<hbm>> -> memref<1x4096xi32, #tpu.memory_space<hbm>>
        %dma_wait3A_17 = tpu.memref_squeeze %dma_wait3A_16 : memref<1x4096xi32, #tpu.memory_space<hbm>> -> memref<4096xi32, #tpu.memory_space<hbm>>
        %dma_wait3A_18 = arith.constant 0 : i32
        %dma_wait3A_19 = tpu.memref_slice %arg3[%add3A, %dma_wait3A_18] : memref<26x4096xi32, #tpu.memory_space<hbm>> -> memref<1x4096xi32, #tpu.memory_space<hbm>>
        %dma_wait3A_20 = tpu.memref_squeeze %dma_wait3A_19 : memref<1x4096xi32, #tpu.memory_space<hbm>> -> memref<4096xi32, #tpu.memory_space<hbm>>
        tpu.wait_dma2 semaphore(%run_scoped3A : memref<!tpu.dma_semaphore, #tpu.memory_space<semaphore_mem>>) src(%dma_wait3A_20 : memref<4096xi32, #tpu.memory_space<hbm>>) dst(%arg5 : memref<4096xi32, #tpu.memory_space<vmem>>)
        tpu.yield
      }) : () -> ()
      %mul3A_3 = arith.constant 100000 : i32
      %mul3A_4 = arith.muli %add3A, %mul3A_3 : i32
      %dma_start3A = tpu.memref_slice %arg2[%mul3A_4] : memref<2600000xf32, #tpu.memory_space<hbm>> -> memref<100000xf32, #tpu.memory_space<hbm>>
      %dma_start3A_5 = arith.constant 0 : i32
      %dma_start3A_6 = tpu.memref_slice %dma_start3A[%dma_start3A_5] : memref<100000xf32, #tpu.memory_space<hbm>> -> memref<100000xf32, #tpu.memory_space<hbm>>
      tpu.enqueue_indirect_dma source(%dma_start3A_6 : memref<100000xf32, #tpu.memory_space<hbm>>) target(%arg6 : memref<4096xf32, #tpu.memory_space<vmem>>) offsets(%arg5 : memref<4096xi32, #tpu.memory_space<vmem>>) semaphore(%arg7 : memref<!tpu.dma_semaphore, #tpu.memory_space<semaphore_mem>>)
      %dma_wait3A = tpu.memref_slice %arg2[%mul3A_4] : memref<2600000xf32, #tpu.memory_space<hbm>> -> memref<100000xf32, #tpu.memory_space<hbm>>
      %dma_wait3A_7 = arith.constant 0 : i32
      %dma_wait3A_8 = tpu.memref_slice %dma_wait3A[%dma_wait3A_7] : memref<100000xf32, #tpu.memory_space<hbm>> -> memref<100000xf32, #tpu.memory_space<hbm>>
      tpu.wait_indirect_dma semaphore(%arg7 : memref<!tpu.dma_semaphore, #tpu.memory_space<semaphore_mem>>) src(%dma_wait3A_8 : memref<100000xf32, #tpu.memory_space<hbm>>) dst(%arg6 : memref<4096xf32, #tpu.memory_space<vmem>>)
      "tpu.region"() ({
        %run_scoped3A = tpu.sem_alloc : memref<!tpu.dma_semaphore, #tpu.memory_space<semaphore_mem>>
        %dma_start3A_9 = arith.constant 0 : i32
        %dma_start3A_10 = tpu.memref_slice %arg4[%add3A, %dma_start3A_9] : memref<26x4096xf32, #tpu.memory_space<hbm>> -> memref<1x4096xf32, #tpu.memory_space<hbm>>
        %dma_start3A_11 = tpu.memref_squeeze %dma_start3A_10 : memref<1x4096xf32, #tpu.memory_space<hbm>> -> memref<4096xf32, #tpu.memory_space<hbm>>
        %dma_start3A_12 = arith.constant 0 : i32
        %dma_start3A_13 = tpu.memref_slice %arg4[%add3A, %dma_start3A_12] : memref<26x4096xf32, #tpu.memory_space<hbm>> -> memref<1x4096xf32, #tpu.memory_space<hbm>>
        %dma_start3A_14 = tpu.memref_squeeze %dma_start3A_13 : memref<1x4096xf32, #tpu.memory_space<hbm>> -> memref<4096xf32, #tpu.memory_space<hbm>>
        tpu.enqueue_dma source(%arg6 : memref<4096xf32, #tpu.memory_space<vmem>>) target(%dma_start3A_14 : memref<4096xf32, #tpu.memory_space<hbm>>) target_semaphore(%run_scoped3A : memref<!tpu.dma_semaphore, #tpu.memory_space<semaphore_mem>>)
        %dma_wait3A_15 = arith.constant 0 : i32
        %dma_wait3A_16 = tpu.memref_slice %arg4[%add3A, %dma_wait3A_15] : memref<26x4096xf32, #tpu.memory_space<hbm>> -> memref<1x4096xf32, #tpu.memory_space<hbm>>
        %dma_wait3A_17 = tpu.memref_squeeze %dma_wait3A_16 : memref<1x4096xf32, #tpu.memory_space<hbm>> -> memref<4096xf32, #tpu.memory_space<hbm>>
        %dma_wait3A_18 = arith.constant 0 : i32
        %dma_wait3A_19 = tpu.memref_slice %arg4[%add3A, %dma_wait3A_18] : memref<26x4096xf32, #tpu.memory_space<hbm>> -> memref<1x4096xf32, #tpu.memory_space<hbm>>
        %dma_wait3A_20 = tpu.memref_squeeze %dma_wait3A_19 : memref<1x4096xf32, #tpu.memory_space<hbm>> -> memref<4096xf32, #tpu.memory_space<hbm>>
        tpu.wait_dma2 semaphore(%run_scoped3A : memref<!tpu.dma_semaphore, #tpu.memory_space<semaphore_mem>>) src(%arg6 : memref<4096xf32, #tpu.memory_space<vmem>>) dst(%dma_wait3A_20 : memref<4096xf32, #tpu.memory_space<hbm>>)
        tpu.yield
      }) : () -> ()
    } else {
    }
    return
  }
}

#map = affine_map<(d0, d1) -> (0)>
#map1 = affine_map<(d0, d1) -> (0, 0)>
module attributes {stable_mosaic.version = 14 : i64} {
  func.func @body(%arg0: i32, %arg1: i32, %arg2: memref<41600000xf32, #tpu.memory_space<hbm>>, %arg3: memref<26x4096xi32, #tpu.memory_space<hbm>>, %arg4: memref<416x4096xf32, #tpu.memory_space<hbm>>, %arg5: memref<2x4096xi32, #tpu.memory_space<vmem>>, %arg6: memref<13x4096xf32, #tpu.memory_space<vmem>>, %arg7: memref<!tpu.dma_semaphore, #tpu.memory_space<semaphore_mem>>) attributes {dimension_semantics = [#tpu.dimension_semantics<core_parallel>, #tpu.dimension_semantics<subcore_parallel>], iteration_bounds = array<i64: 2, 16>, scalar_prefetch = 0 : i64, scratch_operands = 3 : i64, tpu.core_type = #tpu.core_type<sc_vector_subcore>, window_params = [{transform_indices = #map}, {transform_indices = #map1}, {transform_indices = #map1}]} {
    %mul3A = arith.constant 2 : i32
    %mul3A_0 = arith.muli %arg1, %mul3A : i32
    %add3A = arith.addi %mul3A_0, %arg0 : i32
    %mul3A_1 = arith.constant 13 : i32
    %mul3A_2 = arith.muli %add3A, %mul3A_1 : i32
    %add3A_3 = arith.constant 0 : i32
    %add3A_4 = arith.addi %add3A_3, %mul3A_2 : i32
    %jit3A = arith.constant 16 : i32
    %div3A = arith.divsi %add3A_4, %jit3A : i32
    %sign3A = arith.constant 0 : i32
    %sign3A_5 = arith.cmpi sgt, %add3A_4, %sign3A : i32
    %sign3A_6 = arith.extui %sign3A_5 : i1 to i32
    %sign3A_7 = arith.constant 0 : i32
    %sign3A_8 = arith.cmpi slt, %add3A_4, %sign3A_7 : i32
    %sign3A_9 = arith.extui %sign3A_8 : i1 to i32
    %sign3A_10 = arith.subi %sign3A_6, %sign3A_9 : i32
    %sign3A_11 = arith.constant 0 : i32
    %sign3A_12 = arith.cmpi sgt, %jit3A, %sign3A_11 : i32
    %sign3A_13 = arith.extui %sign3A_12 : i1 to i32
    %sign3A_14 = arith.constant 0 : i32
    %sign3A_15 = arith.cmpi slt, %jit3A, %sign3A_14 : i32
    %sign3A_16 = arith.extui %sign3A_15 : i1 to i32
    %sign3A_17 = arith.subi %sign3A_13, %sign3A_16 : i32
    %ne3A = arith.cmpi ne, %sign3A_10, %sign3A_17 : i32
    %rem3A = arith.remsi %add3A_4, %jit3A : i32
    %ne3A_18 = arith.constant 0 : i32
    %ne3A_19 = arith.cmpi ne, %rem3A, %ne3A_18 : i32
    %and3A = arith.andi %ne3A, %ne3A_19 : i1
    %sub3A = arith.constant 1 : i32
    %sub3A_20 = arith.subi %div3A, %sub3A : i32
    %select_n3A = arith.select %and3A, %sub3A_20, %div3A : i32
    %run_scoped3A = arith.constant 0 : i32
    "tpu.region"() ({
      %run_scoped3A_65 = tpu.sem_alloc : memref<!tpu.dma_semaphore, #tpu.memory_space<semaphore_mem>>
      %dma_start3A = arith.constant 0 : i32
      %dma_start3A_66 = tpu.memref_slice %arg5[%run_scoped3A, %dma_start3A] : memref<2x4096xi32, #tpu.memory_space<vmem>> -> memref<1x4096xi32, #tpu.memory_space<vmem>>
      %dma_start3A_67 = tpu.memref_squeeze %dma_start3A_66 : memref<1x4096xi32, #tpu.memory_space<vmem>> -> memref<4096xi32, #tpu.memory_space<vmem>>
      %dma_start3A_68 = arith.constant 0 : i32
      %dma_start3A_69 = tpu.memref_slice %arg3[%select_n3A, %dma_start3A_68] : memref<26x4096xi32, #tpu.memory_space<hbm>> -> memref<1x4096xi32, #tpu.memory_space<hbm>>
      %dma_start3A_70 = tpu.memref_squeeze %dma_start3A_69 : memref<1x4096xi32, #tpu.memory_space<hbm>> -> memref<4096xi32, #tpu.memory_space<hbm>>
      %dma_start3A_71 = arith.constant 0 : i32
      %dma_start3A_72 = tpu.memref_slice %arg5[%run_scoped3A, %dma_start3A_71] : memref<2x4096xi32, #tpu.memory_space<vmem>> -> memref<1x4096xi32, #tpu.memory_space<vmem>>
      %dma_start3A_73 = tpu.memref_squeeze %dma_start3A_72 : memref<1x4096xi32, #tpu.memory_space<vmem>> -> memref<4096xi32, #tpu.memory_space<vmem>>
      %dma_start3A_74 = arith.constant 0 : i32
      %dma_start3A_75 = tpu.memref_slice %arg3[%select_n3A, %dma_start3A_74] : memref<26x4096xi32, #tpu.memory_space<hbm>> -> memref<1x4096xi32, #tpu.memory_space<hbm>>
      %dma_start3A_76 = tpu.memref_squeeze %dma_start3A_75 : memref<1x4096xi32, #tpu.memory_space<hbm>> -> memref<4096xi32, #tpu.memory_space<hbm>>
      tpu.enqueue_dma source(%dma_start3A_76 : memref<4096xi32, #tpu.memory_space<hbm>>) target(%dma_start3A_73 : memref<4096xi32, #tpu.memory_space<vmem>>) target_semaphore(%run_scoped3A_65 : memref<!tpu.dma_semaphore, #tpu.memory_space<semaphore_mem>>)
      %dma_wait3A = arith.constant 0 : i32
      %dma_wait3A_77 = tpu.memref_slice %arg5[%run_scoped3A, %dma_wait3A] : memref<2x4096xi32, #tpu.memory_space<vmem>> -> memref<1x4096xi32, #tpu.memory_space<vmem>>
      %dma_wait3A_78 = tpu.memref_squeeze %dma_wait3A_77 : memref<1x4096xi32, #tpu.memory_space<vmem>> -> memref<4096xi32, #tpu.memory_space<vmem>>
      %dma_wait3A_79 = arith.constant 0 : i32
      %dma_wait3A_80 = tpu.memref_slice %arg3[%select_n3A, %dma_wait3A_79] : memref<26x4096xi32, #tpu.memory_space<hbm>> -> memref<1x4096xi32, #tpu.memory_space<hbm>>
      %dma_wait3A_81 = tpu.memref_squeeze %dma_wait3A_80 : memref<1x4096xi32, #tpu.memory_space<hbm>> -> memref<4096xi32, #tpu.memory_space<hbm>>
      %dma_wait3A_82 = arith.constant 0 : i32
      %dma_wait3A_83 = tpu.memref_slice %arg5[%run_scoped3A, %dma_wait3A_82] : memref<2x4096xi32, #tpu.memory_space<vmem>> -> memref<1x4096xi32, #tpu.memory_space<vmem>>
      %dma_wait3A_84 = tpu.memref_squeeze %dma_wait3A_83 : memref<1x4096xi32, #tpu.memory_space<vmem>> -> memref<4096xi32, #tpu.memory_space<vmem>>
      %dma_wait3A_85 = arith.constant 0 : i32
      %dma_wait3A_86 = tpu.memref_slice %arg3[%select_n3A, %dma_wait3A_85] : memref<26x4096xi32, #tpu.memory_space<hbm>> -> memref<1x4096xi32, #tpu.memory_space<hbm>>
      %dma_wait3A_87 = tpu.memref_squeeze %dma_wait3A_86 : memref<1x4096xi32, #tpu.memory_space<hbm>> -> memref<4096xi32, #tpu.memory_space<hbm>>
      tpu.wait_dma2 semaphore(%run_scoped3A_65 : memref<!tpu.dma_semaphore, #tpu.memory_space<semaphore_mem>>) src(%dma_wait3A_87 : memref<4096xi32, #tpu.memory_space<hbm>>) dst(%dma_wait3A_84 : memref<4096xi32, #tpu.memory_space<vmem>>)
      tpu.yield
    }) : () -> ()
    %add3A_21 = arith.constant 0 : i32
    %add3A_22 = arith.addi %add3A_21, %mul3A_2 : i32
    %add3A_23 = arith.constant 13 : i32
    %add3A_24 = arith.addi %add3A_22, %add3A_23 : i32
    %sub3A_25 = arith.constant 1 : i32
    %sub3A_26 = arith.subi %add3A_24, %sub3A_25 : i32
    %jit3A_27 = arith.constant 16 : i32
    %div3A_28 = arith.divsi %sub3A_26, %jit3A_27 : i32
    %sign3A_29 = arith.constant 0 : i32
    %sign3A_30 = arith.cmpi sgt, %sub3A_26, %sign3A_29 : i32
    %sign3A_31 = arith.extui %sign3A_30 : i1 to i32
    %sign3A_32 = arith.constant 0 : i32
    %sign3A_33 = arith.cmpi slt, %sub3A_26, %sign3A_32 : i32
    %sign3A_34 = arith.extui %sign3A_33 : i1 to i32
    %sign3A_35 = arith.subi %sign3A_31, %sign3A_34 : i32
    %sign3A_36 = arith.constant 0 : i32
    %sign3A_37 = arith.cmpi sgt, %jit3A_27, %sign3A_36 : i32
    %sign3A_38 = arith.extui %sign3A_37 : i1 to i32
    %sign3A_39 = arith.constant 0 : i32
    %sign3A_40 = arith.cmpi slt, %jit3A_27, %sign3A_39 : i32
    %sign3A_41 = arith.extui %sign3A_40 : i1 to i32
    %sign3A_42 = arith.subi %sign3A_38, %sign3A_41 : i32
    %ne3A_43 = arith.cmpi ne, %sign3A_35, %sign3A_42 : i32
    %rem3A_44 = arith.remsi %sub3A_26, %jit3A_27 : i32
    %ne3A_45 = arith.constant 0 : i32
    %ne3A_46 = arith.cmpi ne, %rem3A_44, %ne3A_45 : i32
    %and3A_47 = arith.andi %ne3A_43, %ne3A_46 : i1
    %sub3A_48 = arith.constant 1 : i32
    %sub3A_49 = arith.subi %div3A_28, %sub3A_48 : i32
    %select_n3A_50 = arith.select %and3A_47, %sub3A_49, %div3A_28 : i32
    %run_scoped3A_51 = arith.constant 1 : i32
    "tpu.region"() ({
      %run_scoped3A_65 = tpu.sem_alloc : memref<!tpu.dma_semaphore, #tpu.memory_space<semaphore_mem>>
      %dma_start3A = arith.constant 0 : i32
      %dma_start3A_66 = tpu.memref_slice %arg5[%run_scoped3A_51, %dma_start3A] : memref<2x4096xi32, #tpu.memory_space<vmem>> -> memref<1x4096xi32, #tpu.memory_space<vmem>>
      %dma_start3A_67 = tpu.memref_squeeze %dma_start3A_66 : memref<1x4096xi32, #tpu.memory_space<vmem>> -> memref<4096xi32, #tpu.memory_space<vmem>>
      %dma_start3A_68 = arith.constant 0 : i32
      %dma_start3A_69 = tpu.memref_slice %arg3[%select_n3A_50, %dma_start3A_68] : memref<26x4096xi32, #tpu.memory_space<hbm>> -> memref<1x4096xi32, #tpu.memory_space<hbm>>
      %dma_start3A_70 = tpu.memref_squeeze %dma_start3A_69 : memref<1x4096xi32, #tpu.memory_space<hbm>> -> memref<4096xi32, #tpu.memory_space<hbm>>
      %dma_start3A_71 = arith.constant 0 : i32
      %dma_start3A_72 = tpu.memref_slice %arg5[%run_scoped3A_51, %dma_start3A_71] : memref<2x4096xi32, #tpu.memory_space<vmem>> -> memref<1x4096xi32, #tpu.memory_space<vmem>>
      %dma_start3A_73 = tpu.memref_squeeze %dma_start3A_72 : memref<1x4096xi32, #tpu.memory_space<vmem>> -> memref<4096xi32, #tpu.memory_space<vmem>>
      %dma_start3A_74 = arith.constant 0 : i32
      %dma_start3A_75 = tpu.memref_slice %arg3[%select_n3A_50, %dma_start3A_74] : memref<26x4096xi32, #tpu.memory_space<hbm>> -> memref<1x4096xi32, #tpu.memory_space<hbm>>
      %dma_start3A_76 = tpu.memref_squeeze %dma_start3A_75 : memref<1x4096xi32, #tpu.memory_space<hbm>> -> memref<4096xi32, #tpu.memory_space<hbm>>
      tpu.enqueue_dma source(%dma_start3A_76 : memref<4096xi32, #tpu.memory_space<hbm>>) target(%dma_start3A_73 : memref<4096xi32, #tpu.memory_space<vmem>>) target_semaphore(%run_scoped3A_65 : memref<!tpu.dma_semaphore, #tpu.memory_space<semaphore_mem>>)
      %dma_wait3A = arith.constant 0 : i32
      %dma_wait3A_77 = tpu.memref_slice %arg5[%run_scoped3A_51, %dma_wait3A] : memref<2x4096xi32, #tpu.memory_space<vmem>> -> memref<1x4096xi32, #tpu.memory_space<vmem>>
      %dma_wait3A_78 = tpu.memref_squeeze %dma_wait3A_77 : memref<1x4096xi32, #tpu.memory_space<vmem>> -> memref<4096xi32, #tpu.memory_space<vmem>>
      %dma_wait3A_79 = arith.constant 0 : i32
      %dma_wait3A_80 = tpu.memref_slice %arg3[%select_n3A_50, %dma_wait3A_79] : memref<26x4096xi32, #tpu.memory_space<hbm>> -> memref<1x4096xi32, #tpu.memory_space<hbm>>
      %dma_wait3A_81 = tpu.memref_squeeze %dma_wait3A_80 : memref<1x4096xi32, #tpu.memory_space<hbm>> -> memref<4096xi32, #tpu.memory_space<hbm>>
      %dma_wait3A_82 = arith.constant 0 : i32
      %dma_wait3A_83 = tpu.memref_slice %arg5[%run_scoped3A_51, %dma_wait3A_82] : memref<2x4096xi32, #tpu.memory_space<vmem>> -> memref<1x4096xi32, #tpu.memory_space<vmem>>
      %dma_wait3A_84 = tpu.memref_squeeze %dma_wait3A_83 : memref<1x4096xi32, #tpu.memory_space<vmem>> -> memref<4096xi32, #tpu.memory_space<vmem>>
      %dma_wait3A_85 = arith.constant 0 : i32
      %dma_wait3A_86 = tpu.memref_slice %arg3[%select_n3A_50, %dma_wait3A_85] : memref<26x4096xi32, #tpu.memory_space<hbm>> -> memref<1x4096xi32, #tpu.memory_space<hbm>>
      %dma_wait3A_87 = tpu.memref_squeeze %dma_wait3A_86 : memref<1x4096xi32, #tpu.memory_space<hbm>> -> memref<4096xi32, #tpu.memory_space<hbm>>
      tpu.wait_dma2 semaphore(%run_scoped3A_65 : memref<!tpu.dma_semaphore, #tpu.memory_space<semaphore_mem>>) src(%dma_wait3A_87 : memref<4096xi32, #tpu.memory_space<hbm>>) dst(%dma_wait3A_84 : memref<4096xi32, #tpu.memory_space<vmem>>)
      tpu.yield
    }) : () -> ()
    %scan3A = arith.constant 0 : i32
    %scan3A_52 = arith.constant 0 : i32
    %scan3A_53 = arith.constant 13 : i32
    %scan3A_54 = arith.addi %scan3A_52, %scan3A_53 : i32
    %scan3A_55 = arith.constant 1 : i32
    %scan3A_56 = scf.for %scan3A_65 = %scan3A_52 to %scan3A_54 step %scan3A_55 iter_args(%scan3A_66 = %scan3A) -> (i32)  : i32 {
      %add3A_67 = arith.addi %mul3A_2, %scan3A_65 : i32
      %add3A_68 = arith.constant 0 : i32
      %add3A_69 = arith.addi %add3A_68, %add3A_67 : i32
      %jit3A_70 = arith.constant 16 : i32
      %div3A_71 = arith.divsi %add3A_69, %jit3A_70 : i32
      %sign3A_72 = arith.constant 0 : i32
      %sign3A_73 = arith.cmpi sgt, %add3A_69, %sign3A_72 : i32
      %sign3A_74 = arith.extui %sign3A_73 : i1 to i32
      %sign3A_75 = arith.constant 0 : i32
      %sign3A_76 = arith.cmpi slt, %add3A_69, %sign3A_75 : i32
      %sign3A_77 = arith.extui %sign3A_76 : i1 to i32
      %sign3A_78 = arith.subi %sign3A_74, %sign3A_77 : i32
      %sign3A_79 = arith.constant 0 : i32
      %sign3A_80 = arith.cmpi sgt, %jit3A_70, %sign3A_79 : i32
      %sign3A_81 = arith.extui %sign3A_80 : i1 to i32
      %sign3A_82 = arith.constant 0 : i32
      %sign3A_83 = arith.cmpi slt, %jit3A_70, %sign3A_82 : i32
      %sign3A_84 = arith.extui %sign3A_83 : i1 to i32
      %sign3A_85 = arith.subi %sign3A_81, %sign3A_84 : i32
      %ne3A_86 = arith.cmpi ne, %sign3A_78, %sign3A_85 : i32
      %rem3A_87 = arith.remsi %add3A_69, %jit3A_70 : i32
      %ne3A_88 = arith.constant 0 : i32
      %ne3A_89 = arith.cmpi ne, %rem3A_87, %ne3A_88 : i32
      %and3A_90 = arith.andi %ne3A_86, %ne3A_89 : i1
      %sub3A_91 = arith.constant 1 : i32
      %sub3A_92 = arith.subi %div3A_71, %sub3A_91 : i32
      %select_n3A_93 = arith.select %and3A_90, %sub3A_92, %div3A_71 : i32
      %sub3A_94 = arith.subi %select_n3A_93, %select_n3A : i32
      %mul3A_95 = arith.constant 100000 : i32
      %mul3A_96 = arith.muli %add3A_67, %mul3A_95 : i32
      %dma_start3A = arith.constant 0 : i32
      %dma_start3A_97 = tpu.memref_slice %arg6[%scan3A_65, %dma_start3A] : memref<13x4096xf32, #tpu.memory_space<vmem>> -> memref<1x4096xf32, #tpu.memory_space<vmem>>
      %dma_start3A_98 = tpu.memref_squeeze %dma_start3A_97 : memref<1x4096xf32, #tpu.memory_space<vmem>> -> memref<4096xf32, #tpu.memory_space<vmem>>
      %dma_start3A_99 = arith.constant 0 : i32
      %dma_start3A_100 = tpu.memref_slice %arg5[%sub3A_94, %dma_start3A_99] : memref<2x4096xi32, #tpu.memory_space<vmem>> -> memref<1x4096xi32, #tpu.memory_space<vmem>>
      %dma_start3A_101 = tpu.memref_squeeze %dma_start3A_100 : memref<1x4096xi32, #tpu.memory_space<vmem>> -> memref<4096xi32, #tpu.memory_space<vmem>>
      %dma_start3A_102 = tpu.memref_slice %arg2[%mul3A_96] : memref<41600000xf32, #tpu.memory_space<hbm>> -> memref<100000xf32, #tpu.memory_space<hbm>>
      %dma_start3A_103 = arith.constant 0 : i32
      %dma_start3A_104 = tpu.memref_slice %dma_start3A_102[%dma_start3A_103] : memref<100000xf32, #tpu.memory_space<hbm>> -> memref<100000xf32, #tpu.memory_space<hbm>>
      tpu.enqueue_indirect_dma source(%dma_start3A_104 : memref<100000xf32, #tpu.memory_space<hbm>>) target(%dma_start3A_98 : memref<4096xf32, #tpu.memory_space<vmem>>) offsets(%dma_start3A_101 : memref<4096xi32, #tpu.memory_space<vmem>>) semaphore(%arg7 : memref<!tpu.dma_semaphore, #tpu.memory_space<semaphore_mem>>)
      %scan3A_105 = arith.constant 0 : i32
      scf.yield %scan3A_105 : i32
    }
    %scan3A_57 = arith.constant 13 : i32
    %scan3A_58 = arith.constant 0 : i32
    %scan3A_59 = arith.constant 0 : i32
    %scan3A_60 = arith.constant 13 : i32
    %scan3A_61 = arith.addi %scan3A_59, %scan3A_60 : i32
    %scan3A_62 = arith.constant 1 : i32
    %scan3A_63 = scf.for %scan3A_65 = %scan3A_59 to %scan3A_61 step %scan3A_62 iter_args(%scan3A_66 = %scan3A_58) -> (i32)  : i32 {
      %add3A_67 = arith.addi %mul3A_2, %scan3A_65 : i32
      %add3A_68 = arith.constant 0 : i32
      %add3A_69 = arith.addi %add3A_68, %add3A_67 : i32
      %jit3A_70 = arith.constant 16 : i32
      %div3A_71 = arith.divsi %add3A_69, %jit3A_70 : i32
      %sign3A_72 = arith.constant 0 : i32
      %sign3A_73 = arith.cmpi sgt, %add3A_69, %sign3A_72 : i32
      %sign3A_74 = arith.extui %sign3A_73 : i1 to i32
      %sign3A_75 = arith.constant 0 : i32
      %sign3A_76 = arith.cmpi slt, %add3A_69, %sign3A_75 : i32
      %sign3A_77 = arith.extui %sign3A_76 : i1 to i32
      %sign3A_78 = arith.subi %sign3A_74, %sign3A_77 : i32
      %sign3A_79 = arith.constant 0 : i32
      %sign3A_80 = arith.cmpi sgt, %jit3A_70, %sign3A_79 : i32
      %sign3A_81 = arith.extui %sign3A_80 : i1 to i32
      %sign3A_82 = arith.constant 0 : i32
      %sign3A_83 = arith.cmpi slt, %jit3A_70, %sign3A_82 : i32
      %sign3A_84 = arith.extui %sign3A_83 : i1 to i32
      %sign3A_85 = arith.subi %sign3A_81, %sign3A_84 : i32
      %ne3A_86 = arith.cmpi ne, %sign3A_78, %sign3A_85 : i32
      %rem3A_87 = arith.remsi %add3A_69, %jit3A_70 : i32
      %ne3A_88 = arith.constant 0 : i32
      %ne3A_89 = arith.cmpi ne, %rem3A_87, %ne3A_88 : i32
      %and3A_90 = arith.andi %ne3A_86, %ne3A_89 : i1
      %sub3A_91 = arith.constant 1 : i32
      %sub3A_92 = arith.subi %div3A_71, %sub3A_91 : i32
      %select_n3A_93 = arith.select %and3A_90, %sub3A_92, %div3A_71 : i32
      %sub3A_94 = arith.subi %select_n3A_93, %select_n3A : i32
      %mul3A_95 = arith.constant 100000 : i32
      %mul3A_96 = arith.muli %add3A_67, %mul3A_95 : i32
      %dma_wait3A = arith.constant 0 : i32
      %dma_wait3A_97 = tpu.memref_slice %arg6[%scan3A_65, %dma_wait3A] : memref<13x4096xf32, #tpu.memory_space<vmem>> -> memref<1x4096xf32, #tpu.memory_space<vmem>>
      %dma_wait3A_98 = tpu.memref_squeeze %dma_wait3A_97 : memref<1x4096xf32, #tpu.memory_space<vmem>> -> memref<4096xf32, #tpu.memory_space<vmem>>
      %dma_wait3A_99 = arith.constant 0 : i32
      %dma_wait3A_100 = tpu.memref_slice %arg5[%sub3A_94, %dma_wait3A_99] : memref<2x4096xi32, #tpu.memory_space<vmem>> -> memref<1x4096xi32, #tpu.memory_space<vmem>>
      %dma_wait3A_101 = tpu.memref_squeeze %dma_wait3A_100 : memref<1x4096xi32, #tpu.memory_space<vmem>> -> memref<4096xi32, #tpu.memory_space<vmem>>
      %dma_wait3A_102 = tpu.memref_slice %arg2[%mul3A_96] : memref<41600000xf32, #tpu.memory_space<hbm>> -> memref<100000xf32, #tpu.memory_space<hbm>>
      %dma_wait3A_103 = arith.constant 0 : i32
      %dma_wait3A_104 = tpu.memref_slice %dma_wait3A_102[%dma_wait3A_103] : memref<100000xf32, #tpu.memory_space<hbm>> -> memref<100000xf32, #tpu.memory_space<hbm>>
      tpu.wait_indirect_dma semaphore(%arg7 : memref<!tpu.dma_semaphore, #tpu.memory_space<semaphore_mem>>) src(%dma_wait3A_104 : memref<100000xf32, #tpu.memory_space<hbm>>) dst(%dma_wait3A_98 : memref<4096xf32, #tpu.memory_space<vmem>>)
      %scan3A_105 = arith.constant 0 : i32
      scf.yield %scan3A_105 : i32
    }
    %scan3A_64 = arith.constant 13 : i32
    "tpu.region"() ({
      %run_scoped3A_65 = tpu.sem_alloc : memref<!tpu.dma_semaphore, #tpu.memory_space<semaphore_mem>>
      %dma_start3A = arith.constant 0 : i32
      %dma_start3A_66 = tpu.memref_slice %arg4[%mul3A_2, %dma_start3A] : memref<416x4096xf32, #tpu.memory_space<hbm>> -> memref<13x4096xf32, #tpu.memory_space<hbm>>
      %dma_start3A_67 = arith.constant 0 : i32
      %dma_start3A_68 = tpu.memref_slice %arg4[%mul3A_2, %dma_start3A_67] : memref<416x4096xf32, #tpu.memory_space<hbm>> -> memref<13x4096xf32, #tpu.memory_space<hbm>>
      tpu.enqueue_dma source(%arg6 : memref<13x4096xf32, #tpu.memory_space<vmem>>) target(%dma_start3A_68 : memref<13x4096xf32, #tpu.memory_space<hbm>>) target_semaphore(%run_scoped3A_65 : memref<!tpu.dma_semaphore, #tpu.memory_space<semaphore_mem>>)
      %dma_wait3A = arith.constant 0 : i32
      %dma_wait3A_69 = tpu.memref_slice %arg4[%mul3A_2, %dma_wait3A] : memref<416x4096xf32, #tpu.memory_space<hbm>> -> memref<13x4096xf32, #tpu.memory_space<hbm>>
      %dma_wait3A_70 = arith.constant 0 : i32
      %dma_wait3A_71 = tpu.memref_slice %arg4[%mul3A_2, %dma_wait3A_70] : memref<416x4096xf32, #tpu.memory_space<hbm>> -> memref<13x4096xf32, #tpu.memory_space<hbm>>
      tpu.wait_dma2 semaphore(%run_scoped3A_65 : memref<!tpu.dma_semaphore, #tpu.memory_space<semaphore_mem>>) src(%arg6 : memref<13x4096xf32, #tpu.memory_space<vmem>>) dst(%dma_wait3A_71 : memref<13x4096xf32, #tpu.memory_space<hbm>>)
      tpu.yield
    }) : () -> ()
    return
  }
}

module attributes {stable_mosaic.version = 14 : i64} {
  func.func @_dense_body(%arg0: i32, %arg1: memref<416x1024xf32, #tpu.memory_space<vmem>>, %arg2: memref<26x1024xf32, #tpu.memory_space<vmem>>, %arg3: memref<16x416xf32, #tpu.memory_space<vmem>>, %arg4: memref<256x416xf32, #tpu.memory_space<vmem>>, %arg5: memref<256x1xf32, #tpu.memory_space<vmem>>, %arg6: memref<128x256xf32, #tpu.memory_space<vmem>>, %arg7: memref<128x1xf32, #tpu.memory_space<vmem>>, %arg8: memref<64x128xf32, #tpu.memory_space<vmem>>, %arg9: memref<64x1xf32, #tpu.memory_space<vmem>>, %arg10: memref<64x1xf32, #tpu.memory_space<vmem>>, %arg11: memref<1x1xf32, #tpu.memory_space<vmem>>, %arg12: memref<1x1024xf32, #tpu.memory_space<vmem>>) attributes {dimension_semantics = [#tpu.dimension_semantics<arbitrary>], iteration_bounds = array<i64: 4>, scalar_prefetch = 0 : i64, scratch_operands = 0 : i64, tpu.core_type = #tpu.core_type<tc>, window_params = [{transform_indices = @transform_0, window_bounds = array<i64: 416, 1024>}, {transform_indices = @transform_1, window_bounds = array<i64: 26, 1024>}, {pipeline_mode = #tpu.pipeline_mode<synchronous>, transform_indices = @transform_2, window_bounds = array<i64: 16, 416>}, {pipeline_mode = #tpu.pipeline_mode<synchronous>, transform_indices = @transform_3, window_bounds = array<i64: 256, 416>}, {pipeline_mode = #tpu.pipeline_mode<synchronous>, transform_indices = @transform_4, window_bounds = array<i64: 256, 1>}, {pipeline_mode = #tpu.pipeline_mode<synchronous>, transform_indices = @transform_5, window_bounds = array<i64: 128, 256>}, {pipeline_mode = #tpu.pipeline_mode<synchronous>, transform_indices = @transform_6, window_bounds = array<i64: 128, 1>}, {pipeline_mode = #tpu.pipeline_mode<synchronous>, transform_indices = @transform_7, window_bounds = array<i64: 64, 128>}, {pipeline_mode = #tpu.pipeline_mode<synchronous>, transform_indices = @transform_8, window_bounds = array<i64: 64, 1>}, {pipeline_mode = #tpu.pipeline_mode<synchronous>, transform_indices = @transform_9, window_bounds = array<i64: 64, 1>}, {pipeline_mode = #tpu.pipeline_mode<synchronous>, transform_indices = @transform_10, window_bounds = array<i64: 1, 1>}, {transform_indices = @transform_11, window_bounds = array<i64: 1, 1024>}]} {
    %get3A = arith.constant 0 : index
    %get3A_0 = arith.constant 0 : index
    %get3A_1 = vector.load %arg1[%get3A, %get3A_0] : memref<416x1024xf32, #tpu.memory_space<vmem>>, vector<416x1024xf32>
    %get3A_2 = arith.constant 0 : index
    %get3A_3 = arith.constant 0 : index
    %get3A_4 = vector.load %arg3[%get3A_2, %get3A_3] : memref<16x416xf32, #tpu.memory_space<vmem>>, vector<16x416xf32>
    %dot_general3A = arith.constant dense<0.000000e+00> : vector<16x1024xf32>
    %dot_general3A_5 = tpu.matmul %get3A_4, %get3A_1, %dot_general3A {dimension_numbers = #tpu.dot_dimension_numbers<[1], [0], [0], [1], [0, 0, 1, 1], [], []>, transpose_lhs_hint = false} : vector<16x416xf32>, vector<416x1024xf32>, vector<16x1024xf32> -> vector<16x1024xf32>
    %mul3A = arith.mulf %dot_general3A_5, %dot_general3A_5 : vector<16x1024xf32>
    %reduce_sum3A = arith.constant dense<0.000000e+00> : vector<1024xf32>
    %reduce_sum3A_6 = vector.multi_reduction <add>, %mul3A, %reduce_sum3A [0] : vector<16x1024xf32> to vector<1024xf32>
    %broadcast_in_dim3A = vector.shape_cast %reduce_sum3A_6 : vector<1024xf32> to vector<1x1024xf32>
    %mul3A_7 = arith.mulf %get3A_1, %get3A_1 : vector<416x1024xf32>
    %reduce_sum3A_8 = arith.constant dense<0.000000e+00> : vector<1024xf32>
    %reduce_sum3A_9 = vector.multi_reduction <add>, %mul3A_7, %reduce_sum3A_8 [0] : vector<416x1024xf32> to vector<1024xf32>
    %broadcast_in_dim3A_10 = vector.shape_cast %reduce_sum3A_9 : vector<1024xf32> to vector<1x1024xf32>
    %sub3A = arith.subf %broadcast_in_dim3A, %broadcast_in_dim3A_10 : vector<1x1024xf32>
    %mul3A_11 = arith.constant 5.000000e-01 : f32
    %mul3A_12 = vector.broadcast %mul3A_11 : f32 to vector<1x1024xf32>
    %mul3A_13 = arith.mulf %mul3A_12, %sub3A : vector<1x1024xf32>
    %get3A_14 = arith.constant 0 : index
    %get3A_15 = arith.constant 0 : index
    %get3A_16 = vector.load %arg2[%get3A_14, %get3A_15] : memref<26x1024xf32, #tpu.memory_space<vmem>>, vector<26x1024xf32>
    %reduce_sum3A_17 = arith.constant dense<0.000000e+00> : vector<1024xf32>
    %reduce_sum3A_18 = vector.multi_reduction <add>, %get3A_16, %reduce_sum3A_17 [0] : vector<26x1024xf32> to vector<1024xf32>
    %broadcast_in_dim3A_19 = vector.shape_cast %reduce_sum3A_18 : vector<1024xf32> to vector<1x1024xf32>
    %get3A_20 = arith.constant 0 : index
    %get3A_21 = arith.constant 0 : index
    %get3A_22 = vector.load %arg4[%get3A_20, %get3A_21] : memref<256x416xf32, #tpu.memory_space<vmem>>, vector<256x416xf32>
    %dot_general3A_23 = arith.constant dense<0.000000e+00> : vector<256x1024xf32>
    %dot_general3A_24 = tpu.matmul %get3A_22, %get3A_1, %dot_general3A_23 {dimension_numbers = #tpu.dot_dimension_numbers<[1], [0], [0], [1], [0, 0, 1, 1], [], []>, transpose_lhs_hint = false} : vector<256x416xf32>, vector<416x1024xf32>, vector<256x1024xf32> -> vector<256x1024xf32>
    %get3A_25 = arith.constant 0 : index
    %get3A_26 = arith.constant 0 : index
    %get3A_27 = vector.load %arg5[%get3A_25, %get3A_26] : memref<256x1xf32, #tpu.memory_space<vmem>>, vector<256x1xf32>
    %add3A = vector.broadcast %get3A_27 : vector<256x1xf32> to vector<256x1024xf32>
    %add3A_28 = arith.addf %dot_general3A_24, %add3A : vector<256x1024xf32>
    %max3A = arith.constant 0.000000e+00 : f32
    %max3A_29 = vector.broadcast %max3A : f32 to vector<256x1024xf32>
    %max3A_30 = arith.maximumf %add3A_28, %max3A_29 : vector<256x1024xf32>
    %get3A_31 = arith.constant 0 : index
    %get3A_32 = arith.constant 0 : index
    %get3A_33 = vector.load %arg6[%get3A_31, %get3A_32] : memref<128x256xf32, #tpu.memory_space<vmem>>, vector<128x256xf32>
    %dot_general3A_34 = arith.constant dense<0.000000e+00> : vector<128x1024xf32>
    %dot_general3A_35 = tpu.matmul %get3A_33, %max3A_30, %dot_general3A_34 {dimension_numbers = #tpu.dot_dimension_numbers<[1], [0], [0], [1], [0, 0, 1, 1], [], []>, transpose_lhs_hint = false} : vector<128x256xf32>, vector<256x1024xf32>, vector<128x1024xf32> -> vector<128x1024xf32>
    %get3A_36 = arith.constant 0 : index
    %get3A_37 = arith.constant 0 : index
    %get3A_38 = vector.load %arg7[%get3A_36, %get3A_37] : memref<128x1xf32, #tpu.memory_space<vmem>>, vector<128x1xf32>
    %add3A_39 = vector.broadcast %get3A_38 : vector<128x1xf32> to vector<128x1024xf32>
    %add3A_40 = arith.addf %dot_general3A_35, %add3A_39 : vector<128x1024xf32>
    %max3A_41 = arith.constant 0.000000e+00 : f32
    %max3A_42 = vector.broadcast %max3A_41 : f32 to vector<128x1024xf32>
    %max3A_43 = arith.maximumf %add3A_40, %max3A_42 : vector<128x1024xf32>
    %get3A_44 = arith.constant 0 : index
    %get3A_45 = arith.constant 0 : index
    %get3A_46 = vector.load %arg8[%get3A_44, %get3A_45] : memref<64x128xf32, #tpu.memory_space<vmem>>, vector<64x128xf32>
    %dot_general3A_47 = arith.constant dense<0.000000e+00> : vector<64x1024xf32>
    %dot_general3A_48 = tpu.matmul %get3A_46, %max3A_43, %dot_general3A_47 {dimension_numbers = #tpu.dot_dimension_numbers<[1], [0], [0], [1], [0, 0, 1, 1], [], []>, transpose_lhs_hint = false} : vector<64x128xf32>, vector<128x1024xf32>, vector<64x1024xf32> -> vector<64x1024xf32>
    %get3A_49 = arith.constant 0 : index
    %get3A_50 = arith.constant 0 : index
    %get3A_51 = vector.load %arg9[%get3A_49, %get3A_50] : memref<64x1xf32, #tpu.memory_space<vmem>>, vector<64x1xf32>
    %add3A_52 = vector.broadcast %get3A_51 : vector<64x1xf32> to vector<64x1024xf32>
    %add3A_53 = arith.addf %dot_general3A_48, %add3A_52 : vector<64x1024xf32>
    %max3A_54 = arith.constant 0.000000e+00 : f32
    %max3A_55 = vector.broadcast %max3A_54 : f32 to vector<64x1024xf32>
    %max3A_56 = arith.maximumf %add3A_53, %max3A_55 : vector<64x1024xf32>
    %get3A_57 = arith.constant 0 : index
    %get3A_58 = arith.constant 0 : index
    %get3A_59 = vector.load %arg10[%get3A_57, %get3A_58] : memref<64x1xf32, #tpu.memory_space<vmem>>, vector<64x1xf32>
    %mul3A_60 = vector.broadcast %get3A_59 : vector<64x1xf32> to vector<64x1024xf32>
    %mul3A_61 = arith.mulf %max3A_56, %mul3A_60 : vector<64x1024xf32>
    %reduce_sum3A_62 = arith.constant dense<0.000000e+00> : vector<1024xf32>
    %reduce_sum3A_63 = vector.multi_reduction <add>, %mul3A_61, %reduce_sum3A_62 [0] : vector<64x1024xf32> to vector<1024xf32>
    %broadcast_in_dim3A_64 = vector.shape_cast %reduce_sum3A_63 : vector<1024xf32> to vector<1x1024xf32>
    %add3A_65 = arith.addf %broadcast_in_dim3A_19, %mul3A_13 : vector<1x1024xf32>
    %add3A_66 = arith.addf %add3A_65, %broadcast_in_dim3A_64 : vector<1x1024xf32>
    %get3A_67 = arith.constant 0 : index
    %get3A_68 = arith.constant 0 : index
    %get3A_69 = vector.load %arg11[%get3A_67, %get3A_68] : memref<1x1xf32, #tpu.memory_space<vmem>>, vector<1x1xf32>
    %add3A_70 = vector.broadcast %get3A_69 : vector<1x1xf32> to vector<1x1024xf32>
    %add3A_71 = arith.addf %add3A_66, %add3A_70 : vector<1x1024xf32>
    %logistic3A = arith.negf %add3A_71 : vector<1x1024xf32>
    %logistic3A_72 = math.exp %logistic3A : vector<1x1024xf32>
    %logistic3A_73 = arith.constant 1.000000e+00 : f32
    %logistic3A_74 = vector.broadcast %logistic3A_73 : f32 to vector<1x1024xf32>
    %logistic3A_75 = arith.addf %logistic3A_74, %logistic3A_72 : vector<1x1024xf32>
    %logistic3A_76 = arith.divf %logistic3A_74, %logistic3A_75 : vector<1x1024xf32>
    %swap3A = arith.constant 0 : index
    %swap3A_77 = arith.constant 0 : index
    %swap3A_78 = vector.load %arg12[%swap3A, %swap3A_77] : memref<1x1024xf32, #tpu.memory_space<vmem>>, vector<1x1024xf32>
    tpu.vector_store %arg12[%swap3A, %swap3A_77], %logistic3A_76 {strides = array<i32>} : memref<1x1024xf32, #tpu.memory_space<vmem>>, vector<1x1024xf32>,
    return
  }
  func.func @transform_0(%arg0: i32) -> (i32, i32) {
    %c0_i32 = arith.constant 0 : i32
    %c0_i32_0 = arith.constant 0 : i32
    return %c0_i32, %arg0 : i32, i32
  }
  func.func @transform_1(%arg0: i32) -> (i32, i32) {
    %c0_i32 = arith.constant 0 : i32
    %c0_i32_0 = arith.constant 0 : i32
    return %c0_i32, %arg0 : i32, i32
  }
  func.func @transform_2(%arg0: i32) -> (i32, i32) {
    %c0_i32 = arith.constant 0 : i32
    %c0_i32_0 = arith.constant 0 : i32
    %c0_i32_1 = arith.constant 0 : i32
    return %c0_i32, %c0_i32_0 : i32, i32
  }
  func.func @transform_3(%arg0: i32) -> (i32, i32) {
    %c0_i32 = arith.constant 0 : i32
    %c0_i32_0 = arith.constant 0 : i32
    %c0_i32_1 = arith.constant 0 : i32
    return %c0_i32, %c0_i32_0 : i32, i32
  }
  func.func @transform_4(%arg0: i32) -> (i32, i32) {
    %c0_i32 = arith.constant 0 : i32
    %c0_i32_0 = arith.constant 0 : i32
    %c0_i32_1 = arith.constant 0 : i32
    return %c0_i32, %c0_i32_0 : i32, i32
  }
  func.func @transform_5(%arg0: i32) -> (i32, i32) {
    %c0_i32 = arith.constant 0 : i32
    %c0_i32_0 = arith.constant 0 : i32
    %c0_i32_1 = arith.constant 0 : i32
    return %c0_i32, %c0_i32_0 : i32, i32
  }
  func.func @transform_6(%arg0: i32) -> (i32, i32) {
    %c0_i32 = arith.constant 0 : i32
    %c0_i32_0 = arith.constant 0 : i32
    %c0_i32_1 = arith.constant 0 : i32
    return %c0_i32, %c0_i32_0 : i32, i32
  }
  func.func @transform_7(%arg0: i32) -> (i32, i32) {
    %c0_i32 = arith.constant 0 : i32
    %c0_i32_0 = arith.constant 0 : i32
    %c0_i32_1 = arith.constant 0 : i32
    return %c0_i32, %c0_i32_0 : i32, i32
  }
  func.func @transform_8(%arg0: i32) -> (i32, i32) {
    %c0_i32 = arith.constant 0 : i32
    %c0_i32_0 = arith.constant 0 : i32
    %c0_i32_1 = arith.constant 0 : i32
    return %c0_i32, %c0_i32_0 : i32, i32
  }
  func.func @transform_9(%arg0: i32) -> (i32, i32) {
    %c0_i32 = arith.constant 0 : i32
    %c0_i32_0 = arith.constant 0 : i32
    %c0_i32_1 = arith.constant 0 : i32
    return %c0_i32, %c0_i32_0 : i32, i32
  }
  func.func @transform_10(%arg0: i32) -> (i32, i32) {
    %c0_i32 = arith.constant 0 : i32
    %c0_i32_0 = arith.constant 0 : i32
    %c0_i32_1 = arith.constant 0 : i32
    return %c0_i32, %c0_i32_0 : i32, i32
  }
  func.func @transform_11(%arg0: i32) -> (i32, i32) {
    %c0_i32 = arith.constant 0 : i32
    %c0_i32_0 = arith.constant 0 : i32
    return %c0_i32, %arg0 : i32, i32
  }
}

</mosaic_0001>

<sc_bundles>
// kernel: kernel.5.cloned.1.call-start
scs
__scs_entry_jumppad:
0x0: {  	(pc) =	sbr.rel $0x88, $3  }
0x1: {  	(tag) =	ssettag $0x0;
	lr =	simm.s32 $0x1  }
0x2: {  	[smem:$0x3F90] =	sst lr;
	_ =	strace $0xD0000000  }
0x3: {  	_ = 	snop  }
0x4: {  	_ = 	snop  }
0x5: {  	_ = 	snop  }
0x6: {  	_ = 	snop  }
0x7: {  	_ = 	snop  }
__scs_overlays_trampoline_lowered:
0x8: {  	[smem:$0x3F9F] =	sst s0  }
0x9: {  	[smem:$0x3FA0] =	sst s1  }
0xa: {  	[smem:$0x3FA1] =	sst s2  }
0xb: {  	[smem:$0x3FA2] =	sst s3  }
0xc: {  	[smem:$0x3FA3] =	sst s4  }
0xd: {  	[smem:$0x3FA4] =	sst s5  }
0xe: {  	[smem:$0x3FA5] =	sst s6  }
0xf: {  	[smem:$0x3FA6] =	sst s7  }
0x10: {  	[smem:$0x3FA7] =	sst s8  }
0x11: {  	[smem:$0x3FA8] =	sst s9;
	s0 =	simm.s32 @!p0 $0x0  }
0x12: {  	s1 =	sld [smem:$0x3F8E];
	s0 =	simm.s32 @p0 $0x1  }
0x13: {  	[smem:$0x3FA9] =	sst s0;
	s0 =	simm.s32 @!p1 $0x0  }
0x14: {  	s2 =	sld [smem:$0x3F8D];
	s0 =	simm.s32 @p1 $0x1  }
0x15: {  	[smem:$0x3FAA] =	sst s0;
	s0 =	simm.s32 @!p2 $0x0  }
0x16: {  	s3 =	sld [smem:$0x3FDB];
	s0 =	simm.s32 @p2 $0x1  }
0x17: {  	s4 =	simm.s32 $0x1BF5;
	[smem:$0x3FAC] =	sst s0  }
0x18: {  	s0 =	sld [smem:$0x3F8F];
	_ =	swait.ge [sflag:s4], $0x0  }
0x19: {  	s7 =	sld [smem:$0x3F90]  }
0x1a: {  	s8 =	sadd.s32 $0xFFFFE003, lr  }
0x1b: {  	s9 =	sadd.s32 $0xFFFFFEF7, lr;
	s5 =	simm.s32 $0xFFFFFFFF;
	p2 =	slt.u32 s8, $0xFFFFF086  }
0x1c: {  	p1 =	slt.u32 s9, $0xF7A;
	s5 =	simm.s32 @!p2 $0x0  }
0x1d: {  	s5 =	simm.s32 @p1 $0x1;
	p0 =	seq.s32 s7, s2  }
0x1e: {  	s7 =	smul.u32 @!p0 $0xF7A, s2;
	p2 =	seq.s32 @!p0 s5, $0x0  }
0x1f: {  	s9 =	smul.u32 $0xF7A, s1;
	s8 =	simm.s32 @!p0 $0x1BF5;
	p2 =	por !p2, p0  }
0x20: {  	[sflag:s8] =	ssyncset.s32 @!p0 $0xFFFFF086;
	s6 =	sadd.s32 @!p0 s3, s7;
	s7 =	simm.s32 @!p0 $0x108  }
0x21: {  	s3 =	sadd.s32 s3, s9;
	s6 =	sadd.s32 @!p0 $0x88, s6;
	s7 =	simm.s32 @p2 $0x1082  }
0x22: {  	[simem:s7], [sflag:s8] =	dma.local @!p0 [hbm:s6], $0xF7A  }
0x23: {  	s9 =	sor.u32 $0xD0000000, s2;
	s6 =	simm.s32 $0x108;
	_ =	swait.ge @!p0 [sflag:s8], $0x0  }
0x24: {  	s3 =	sadd.s32 $0x88, s3;
	s6 =	simm.s32 @!p1 $0x1082;
	[sflag:s4] =	ssyncset.s32 $0xFFFFF086  }
0x25: {  	[simem:s6], [sflag:s4] =	dma.local [hbm:s3], $0xF7A  }
0x26: {  	[smem:$0x3F90] =	sst s1;
	(tag) =	ssettag s2;
	_ =	strace s9  }
0x27: {  	s1 =	sld [smem:$0x3FA0]  }
0x28: {  	s2 =	sld [smem:$0x3FA1]  }
0x29: {  	s4 =	sld [smem:$0x3FA3]  }
0x2a: {  	p0 =	seq.s32 s5, $0x0;
	s5 =	sld [smem:$0x3FA4]  }
0x2b: {  	s6 =	sld [smem:$0x3FA5]  }
0x2c: {  	s7 =	sld [smem:$0x3FA6]  }
0x2d: {  	s3 =	simm.s32 $0x108;
	s8 =	sld [smem:$0x3FA7]  }
0x2e: {  	s3 =	simm.s32 @!p0 $0x1082;
	s9 =	sld [smem:$0x3FA8]  }
0x2f: {  	lr =	sadd.s32 s0, s3;
	s0 =	sld [smem:$0x3F9F]  }
0x30: {  	s3 =	sld [smem:$0x3FA2]  }
0x31: {  	[smem:$0x3FAB] =	sst s10  }
0x32: {  	s10 =	sld [smem:$0x3FA9];
	_ =	sdelay $0x3  }
0x33: {  	p0 =	seq.s32 s10, $0x1;
	s10 =	sld [smem:$0x3FAB];
	_ =	sdelay $0x3  }
0x34: {  	[smem:$0x3FAB] =	sst s10  }
0x35: {  	s10 =	sld [smem:$0x3FAA];
	_ =	sdelay $0x3  }
0x36: {  	p1 =	seq.s32 s10, $0x1;
	s10 =	sld [smem:$0x3FAB];
	_ =	sdelay $0x3  }
0x37: {  	[smem:$0x3FAB] =	sst s10  }
0x38: {  	s10 =	sld [smem:$0x3FAC]  }
0x39: {  	_ = 	snop;
	(pc) =	sbr.ind lr, $3  }
0x3a: {  	_ = 	snop  }
0x3b: {  	_ = 	snop  }
0x3c: {  	p2 =	seq.s32 s10, $0x1;
	s10 =	sld [smem:$0x3FAB]  }
0x3d: {  	_ =	shalt  }
0x3e: {  	_ =	shalt  }
0x3f: {  	_ =	shalt  }
0x40: {  	_ =	shalt  }
0x41: {  	_ =	shalt  }
0x42: {  	_ =	shalt  }
0x43: {  	_ =	shalt  }
0x44: {  	_ =	shalt  }
0x45: {  	_ =	shalt  }
0x46: {  	_ =	shalt  }
0x47: {  	_ =	shalt  }
0x48: {  	_ =	shalt  }
0x49: {  	_ =	shalt  }
0x4a: {  	_ =	shalt  }
0x4b: {  	_ =	shalt  }
0x4c: {  	_ =	shalt  }
0x4d: {  	_ =	shalt  }
0x4e: {  	_ =	shalt  }
0x4f: {  	_ =	shalt  }
0x50: {  	_ =	shalt  }
0x51: {  	_ =	shalt  }
0x52: {  	_ =	shalt  }
0x53: {  	_ =	shalt  }
0x54: {  	_ =	shalt  }
0x55: {  	_ =	shalt  }
0x56: {  	_ =	shalt  }
0x57: {  	_ =	shalt  }
0x58: {  	_ =	shalt  }
0x59: {  	_ =	shalt  }
0x5a: {  	_ =	shalt  }
0x5b: {  	_ =	shalt  }
0x5c: {  	_ =	shalt  }
0x5d: {  	_ =	shalt  }
0x5e: {  	_ =	shalt  }
0x5f: {  	_ =	shalt  }
0x60: {  	_ =	shalt  }
0x61: {  	_ =	shalt  }
0x62: {  	_ =	shalt  }
0x63: {  	_ =	shalt  }
0x64: {  	_ =	shalt  }
0x65: {  	_ =	shalt  }
0x66: {  	_ =	shalt  }
0x67: {  	_ =	shalt  }
0x68: {  	_ =	shalt  }
0x69: {  	_ =	shalt  }
0x6a: {  	_ =	shalt  }
0x6b: {  	_ =	shalt  }
0x6c: {  	_ =	shalt  }
0x6d: {  	_ =	shalt  }
0x6e: {  	_ =	shalt  }
0x6f: {  	_ =	shalt  }
0x70: {  	_ =	shalt  }
0x71: {  	_ =	shalt  }
0x72: {  	_ =	shalt  }
0x73: {  	_ =	shalt  }
0x74: {  	_ =	shalt  }
0x75: {  	_ =	shalt  }
0x76: {  	_ =	shalt  }
0x77: {  	_ =	shalt  }
0x78: {  	_ =	shalt  }
0x79: {  	_ =	shalt  }
0x7a: {  	_ =	shalt  }
0x7b: {  	_ =	shalt  }
0x7c: {  	_ =	shalt  }
0x7d: {  	_ =	shalt  }
0x7e: {  	_ =	shalt  }
0x7f: {  	_ =	shalt  }
0x80: {  	_ =	shalt  }
0x81: {  	_ =	shalt  }
0x82: {  	_ =	shalt  }
0x83: {  	_ =	shalt  }
0x84: {  	_ =	shalt  }
0x85: {  	_ =	shalt  }
0x86: {  	_ =	shalt  }
0x87: {  	_ =	shalt  }
.Lfunc_end0:
.L_simem_size_0:
called_computation_lowered:
.L_overlay_start_0:
0x88: {  	s2 =	sld [smem:$0x3FD9]  }
0x89: {  	s3 =	sld [smem:$0x3FFE];
	_ =	sdelay $0x1  }
0x8a: {  	s1 =	srdreg.scid  }
0x8b: {  	s0 =	sand.u32 $0x1, s1  }
0x8c: {  	s16 =	sshll.u32 s0, $0xA;
	s2 =	sadd.s32 s3, s2  }
0x8d: {  	s2 =	sadd.s32 s2, s16  }
0x8e: {  	[smem:$0x3FB7] =	sst s2  }
0x8f: {  	_ = 	snop  }
0x90: {  	(tm) =	ssettm $0x1  }
0x91: {  	s17 =	sld [smem:$0x3FFB];
	_ =	sdelay $0x3  }
0x92: {  	_ =	strace s17  }
0x93: {  	s2 =	sld [smem:$0x3FFC];
	_ =	sdelay $0x3  }
0x94: {  	_ =	strace s2  }
0x95: {  	s2 =	sld [smem:$0x3FFD];
	_ =	sdelay $0x3  }
0x96: {  	_ =	strace s2  }
0x97: {  	_ =	strace $0x8FFFFFFF  }
0x98: {  	s18 =	sld [smem:$0x3FDB];
	_ =	sdelay $0x1  }
0x99: {  	s19 =	simm.s32 $_scs_section_size  }
0x9a: {  	s4 =	simm.s32 $_size__tile_overlayer_lowered;
	s5 =	simm.s32 $_tile_overlayer_lowered  }
0x9b: {  	s22 =	simm.s32 $0x1BFF;
	s21 =	sshll.u32 s5, $0x1;
	s2 =	sadd.s32 s19, s18  }
0x9c: {  	s6 =	simm.s32 $0x0;
	s20 =	sshll.u32 s4, $0x1;
	s4 =	sadd.s32 s21, s2  }
0x9d: {  	[timem:s6], [sflag:s22] =	dma.local [hbm:s4], s20  }
0x9e: {  	_ =	swait.ge [sflag:s22], s20  }
0x9f: {  	s3 =	ssub.s32 $0x0, s20;
	[sflag:s22] =	ssyncset.done $0x0  }
0xa0: {  	[sflag:s22] =	ssyncadd.s32 s3;
	_ =	sdelay $0x1  }
0xa1: {  	s23 =	simm.s32 $0x1B8B  }
0xa2: {  	_ =	swait.ge [sflag:s23], $0x1  }
0xa3: {  	[sflag:s23] =	ssyncset.done $0x0  }
0xa4: {  	s25 =	simm.s32 $0x1B8E;
	s24 =	sld [smem:$0x3FFE];
	[sflag:s23] =	ssyncadd.s32 $0xFFFFFFFF  }
0xa5: {  	s26 =	simm.s32 $execute0_lowered;
	[smem:$0x3FD2] =	sst s25  }
0xa6: {  	s4 =	sshll.u32 s26, $0x1;
	_ =	strace $0x80000046;
	[dreg:$0x1] =	wrdreg $0xFFFFFFFF  }
0xa7: {  	s28 =	simm.s32 $_size_execute0_lowered;
	s2 =	sadd.s32 s2, s4;
	[dreg:$0x0] =	wrdreg $0x0  }
0xa8: {  	s4 =	sshll.u32 s28, $0x1;
	[dreg:$0x2] =	wrdreg s2  }
0xa9: {  	[dreg:$0x3] =	wrdreg s4  }
0xaa: {  	[dreg:$0x4] =	wrdreg $0xC0  }
0xab: {  	_ =	task [dreg:s6], $0x5FFFF  }
0xac: {  	[dreg:$0x1] =	wrdreg $0xFFFFFFFF  }
0xad: {  	[dreg:$0x0] =	wrdreg $0x60  }
0xae: {  	[dreg:$0x2] =	wrdreg s24  }
0xaf: {  	[dreg:$0x3] =	wrdreg $0x9  }
0xb0: {  	_ =	task.clear_ibuf [dreg:s6], $0x4FFFF;
	_ =	strace $0x90000046  }
0xb1: {  	s29 =	simm.s32 $0x9;
	_ =	strace $0x80000048  }
0xb2: {  	_ =	swait.ge [sflag:s29], $0x1  }
0xb3: {  	[sflag:s29] =	ssyncadd.s32 $0xFFFFFFFF  }
0xb4: {  	_ =	strace $0x90000048  }
0xb5: {  	_ =	sfence  }
0xb6: {  	s30 =	sld [smem:$0x0];
	_ =	sdelay $0x2  }
0xb7: {  	s31 =	sshll.u32 s1, $0xD;
	s1 =	sshrl.u32 s1, $0x2  }
0xb8: {  	s3 =	sand.u32 $0x4000, s31;
	s1 =	sadd.s32 s1, s30  }
0xb9: {  	s0 =	sor.u32 s3, s0;
	s1 =	sshll.u32 s1, $0x11  }
0xba: {  	s0 =	sor.u32 s1, s0  }
0xbb: {  	s0 =	sadd.s32 $0x8F2B, s0  }
0xbc: {  	[sflag:s0] =	ssyncadd.remote.s32 $0x1  }
0xbd: {  	_ =	sfence.sel $0xFFFF  }
0xbe: {  	[dreg:$0x0] =	wrdreg $0xFFFFFFFF;
	(pc) =	sbr.abs _section_cstart, $3  }
0xbf: {  	[dreg:$0x1] =	wrdreg $0xFFFFFFFF  }
0xc0: {  	_ =	task.clear_ibuf [dreg:s6], $0x2FFFF;
	_ =	strace $0x9FFFFFFF  }
0xc1: {  	(tm) =	ssettm $0x7FFFFFFF  }
tec
execute0_lowered:
.L_overlay_start_1:
0x0: {  	(tag) =	ssettag $0x1  }
0x1: {  	s3 =	rddreg [dreg:$0x0]  }
0x2: {  	s0 =	rddreg [dreg:$0x1];
	s2 =	simm.s32 $0x0;
	s1 =	stileid.u32  }
0x3: {  	s4 =	srdreg.scid;
	s13 =	simm.s32 $0x2000;
	s5 =	smul.u32 $0x4F588, s1  }
0x4: {  	s14 =	simm.s32 $0x0;
	s6 =	sand.u32 $0x1, s4;
	s29 =	smul.u32 $0x1A, s1  }
0x5: {  	s22 =	sshll.u32 s1, $0x1;
	[smem:$0x7FF] =	sst s2;
	s12 =	smul.u32 $0x27AC4, s6  }
0x6: {  	s8 =	sadd.s32 $0x2600, s3;
	s4 =	sor.u32 s6, s22;
	s31 =	smul.u32 $0xD, s6  }
0x7: {  	_ =	strace $0x80000047;
	s9 =	ssub.s32 $0x2, s6;
	s23 =	smul.u32 $0x1A00, s4  }
0x8: {  	s7 =	sadd.s32 s5, s3;
	s10 =	smul.u32 $0xD, s4;
	s24 =	sshrl.u32 s9, $0x1  }
0x9: {  	s4 =	smul.u32 $0x1A0, s4;
	s9 =	ssub.s32 s9, s24;
	s30 =	sadd.s32 s12, s7  }
0xa: {  	s12 =	simm.s32 $0x1;
	s11 =	sadd.s32 s23, s3;
	s3 =	sshrl.u32 s10, $0x4  }
0xb: {  	s25 =	sshll.u32 s10, $0x5;
	s26 =	sadd.s32 $0x180, s4;
	s7 =	smax.u32 s9, $0x1  }
0xc: {  	s9 =	sadd.s32 s31, s29;
	s10 =	simm.s32 $0x2;
	s5 =	sand.u32 $0x3E00, s25  }
0xd: {  	s28 =	sand.u32 $0x7E00, s26;
	s6 =	sadd.s32 $0x4FB400, s11;
	s11 =	simm.s32 $0x1000  }
0xe: {  	s4 =	sadd.s32 s8, s5;
	s5 =	sadd.s32 s8, s28;
	s8 =	sadd.s32 $0x5A00, s30  }
.LBB2_1:
0xf: {  	[tilespmem:s2], [sflag:$0x2] =	stream.linear.gather [hbm4b:s4+s2], $0x1000, $0x38;
	[tilespmem:$0xF000] =	vst v63  }
0x10: {  	_ =	swait.ge [sflag:s10], $0x1000  }
0x11: {  	s15 =	sadd.s32 $0x0, s9;
	[sflag:s10] =	ssyncset.done $0x0  }
0x12: {  	s15 =	sshrl.u32 s15, $0x4;
	[sflag:s10] =	ssyncadd.s32 $0xFFFFF000  }
0x13: {  	[tilespmem:s11], [sflag:$0x2] =	stream.linear.gather [hbm4b:s5+s2], $0x1000, $0x38;
	[tilespmem:$0xF000] =	vst v63  }
0x14: {  	s15 =	ssub.s32 s15, s3;
	_ =	swait.ge [sflag:s10], $0x1000  }
0x15: {  	s15 =	sshll.u32 s15, $0xE;
	[sflag:s10] =	ssyncset.done $0x0  }
0x16: {  	s15 =	sshra.s32 s15, $0x2;
	[sflag:s10] =	ssyncadd.s32 $0xFFFFF000  }
0x17: {  	[tilespmem:s13], [sflag:$0x1] =	stream.indirect.gather [hbm4b:s8+s11], $0x1, s15, s11, $0xb8;
	[tilespmem:$0xF000] =	vst v63  }
0x18: {  	s16 =	simm.s32 $0x2000;
	s17 =	smov.u32 s8;
	s15 =	simm.s32 $0x1  }
.LBB2_2:
0x19: {  	s18 =	sadd.s32 s15, s9;
	p0 =	sne.s32 s15, $0xC;
	s15 =	sadd.s32 $0x1, s15  }
.Ltmp0:
0x1a: {  	s18 =	sshrl.u32 s18, $0x4;
	(pc) =	sbr.rel @p0 .LBB2_2-.Ltmp0, $4  }
0x1b: {  	s18 =	ssub.s32 s18, s3  }
0x1c: {  	s18 =	sshll.u32 s18, $0xE  }
0x1d: {  	s16 =	sadd.s32 $0x1000, s16;
	s17 =	sadd.s32 $0x30D4, s17;
	s18 =	sshra.s32 s18, $0x2  }
0x1e: {  	[tilespmem:s16], [sflag:$0x1] =	stream.indirect.gather [hbm4b:s17+s11], $0x1, s18, s11, $0xb8;
	[tilespmem:$0xF000] =	vst v63  }
0x1f: {  	_ =	swait.ge [sflag:s12], $0x1000  }
0x20: {  	[sflag:s12] =	ssyncset.done $0x0  }
0x21: {  	[sflag:s12] =	ssyncadd.s32 $0xFFFFF000  }
0x22: {  	_ =	swait.ge [sflag:s12], $0x1000  }
0x23: {  	[sflag:s12] =	ssyncset.done $0x0  }
0x24: {  	[sflag:s12] =	ssyncadd.s32 $0xFFFFF000  }
0x25: {  	_ =	swait.ge [sflag:s12], $0x1000  }
0x26: {  	[sflag:s12] =	ssyncset.done $0x0  }
0x27: {  	[sflag:s12] =	ssyncadd.s32 $0xFFFFF000  }
0x28: {  	_ =	swait.ge [sflag:s12], $0x1000  }
0x29: {  	[sflag:s12] =	ssyncset.done $0x0  }
0x2a: {  	[sflag:s12] =	ssyncadd.s32 $0xFFFFF000  }
0x2b: {  	_ =	swait.ge [sflag:s12], $0x1000  }
0x2c: {  	[sflag:s12] =	ssyncset.done $0x0  }
0x2d: {  	[sflag:s12] =	ssyncadd.s32 $0xFFFFF000  }
0x2e: {  	_ =	swait.ge [sflag:s12], $0x1000  }
0x2f: {  	[sflag:s12] =	ssyncset.done $0x0  }
0x30: {  	[sflag:s12] =	ssyncadd.s32 $0xFFFFF000  }
0x31: {  	_ =	swait.ge [sflag:s12], $0x1000  }
0x32: {  	[sflag:s12] =	ssyncset.done $0x0  }
0x33: {  	[sflag:s12] =	ssyncadd.s32 $0xFFFFF000  }
0x34: {  	_ =	swait.ge [sflag:s12], $0x1000  }
0x35: {  	[sflag:s12] =	ssyncset.done $0x0  }
0x36: {  	[sflag:s12] =	ssyncadd.s32 $0xFFFFF000  }
0x37: {  	_ =	swait.ge [sflag:s12], $0x1000  }
0x38: {  	[sflag:s12] =	ssyncset.done $0x0  }
0x39: {  	[sflag:s12] =	ssyncadd.s32 $0xFFFFF000  }
0x3a: {  	_ =	swait.ge [sflag:s12], $0x1000  }
0x3b: {  	[sflag:s12] =	ssyncset.done $0x0  }
0x3c: {  	[sflag:s12] =	ssyncadd.s32 $0xFFFFF000  }
0x3d: {  	_ =	swait.ge [sflag:s12], $0x1000  }
0x3e: {  	[sflag:s12] =	ssyncset.done $0x0  }
0x3f: {  	[sflag:s12] =	ssyncadd.s32 $0xFFFFF000  }
0x40: {  	_ =	swait.ge [sflag:s12], $0x1000  }
0x41: {  	[sflag:s12] =	ssyncset.done $0x0  }
0x42: {  	[sflag:s12] =	ssyncadd.s32 $0xFFFFF000  }
0x43: {  	s14 =	sadd.s32 $0x1, s14;
	_ =	swait.ge [sflag:s12], $0x1000  }
0x44: {  	p0 =	sne.s32 s14, s7;
	[sflag:s12] =	ssyncset.done $0x0  }
.Ltmp1:
0x45: {  	[sflag:s12] =	ssyncadd.s32 $0xFFFFF000;
	(pc) =	sbr.rel @p0 .LBB2_1-.Ltmp1, $4  }
0x46: {  	[hbm4b:s6+s2] =	stream.linear.scatter [tilespmem:s13], [sflag:$0x2], $0xD000, $0x38;
	[tilespmem:$0xF000] =	vst v63  }
0x47: {  	_ =	swait.ge [sflag:s10], $0xD000  }
0x48: {  	[sflag:s10] =	ssyncset.done $0x0  }
0x49: {  	[sflag:s10] =	ssyncadd.s32 $0xFFFF3000  }
0x4a: {  	_ =	sfence.sel $0x180000  }
0x4b: {  	[bflag:$0x0] =	sbarrier.arrive $0xFFFF  }
0x4c: {  	p0 =	sne.s32 s1, $0x0;
	_ =	strace $0x90000047  }
0x4d: {  	s0 =	sadd.s32 @!p0 $0x100000, s0;
	[bflag:$0x2] =	sbarrier.arrive $0xFFFF  }
0x4e: {  	[sflag:s0] =	ssyncadd.tile.s32 @!p0 $0x1;
	_ =	shalt  }
.Lfunc_end2:
_tile_overlayer_lowered:
.L_overlay_start_2:
0x4f: {  	(tag) =	ssettag $0x2  }
0x50: {  	s0 =	rddreg [dreg:$0x0];
	s2 =	stileid.u32  }
0x51: {  	s1 =	rddreg [dreg:$0x1];
	p0 =	sne.s32 s2, $0x0  }
0x52: {  	s3 =	rddreg [dreg:$0x2];
	[bflag:$0x3] =	sbarrier.arrive $0xFFFF;
	s2 =	simm.s32 @!p0 $0x1C02  }
0x53: {  	[timem:s3], [sflag:s2] =	dma.local @!p0 [hbm:s0], s1  }
0x54: {  	s0 =	simm.s32 @!p0 $0x2  }
0x55: {  	_ =	swait.ge @!p0 [sflag:s0], s1  }
0x56: {  	s1 =	ssub.s32 @!p0 $0x0, s1;
	[sflag:s0] =	ssyncset.done @!p0 $0x0  }
0x57: {  	[sflag:s0] =	ssyncadd.s32 @!p0 s1  }
0x58: {  	[bflag:$0x3] =	sbarrier.arrive $0xFFFF  }
0x59: {  	_ =	shalt  }

// kernel: kernel.8.cloned.1.call-start
scs
__scs_entry_jumppad:
0x0: {  	(pc) =	sbr.rel $0x88, $3  }
0x1: {  	(tag) =	ssettag $0x0;
	lr =	simm.s32 $0x1  }
0x2: {  	[smem:$0x3F90] =	sst lr;
	_ =	strace $0xD0000000  }
0x3: {  	_ = 	snop  }
0x4: {  	_ = 	snop  }
0x5: {  	_ = 	snop  }
0x6: {  	_ = 	snop  }
0x7: {  	_ = 	snop  }
__scs_overlays_trampoline_lowered:
0x8: {  	[smem:$0x3F9F] =	sst s0  }
0x9: {  	[smem:$0x3FA0] =	sst s1  }
0xa: {  	[smem:$0x3FA1] =	sst s2  }
0xb: {  	[smem:$0x3FA2] =	sst s3  }
0xc: {  	[smem:$0x3FA3] =	sst s4  }
0xd: {  	[smem:$0x3FA4] =	sst s5  }
0xe: {  	[smem:$0x3FA5] =	sst s6  }
0xf: {  	[smem:$0x3FA6] =	sst s7  }
0x10: {  	[smem:$0x3FA7] =	sst s8  }
0x11: {  	[smem:$0x3FA8] =	sst s9;
	s0 =	simm.s32 @!p0 $0x0  }
0x12: {  	s1 =	sld [smem:$0x3F8E];
	s0 =	simm.s32 @p0 $0x1  }
0x13: {  	[smem:$0x3FA9] =	sst s0;
	s0 =	simm.s32 @!p1 $0x0  }
0x14: {  	s2 =	sld [smem:$0x3F8D];
	s0 =	simm.s32 @p1 $0x1  }
0x15: {  	[smem:$0x3FAA] =	sst s0;
	s0 =	simm.s32 @!p2 $0x0  }
0x16: {  	s3 =	sld [smem:$0x3FDB];
	s0 =	simm.s32 @p2 $0x1  }
0x17: {  	s4 =	simm.s32 $0x1BF5;
	[smem:$0x3FAC] =	sst s0  }
0x18: {  	s0 =	sld [smem:$0x3F8F];
	_ =	swait.ge [sflag:s4], $0x0  }
0x19: {  	s7 =	sld [smem:$0x3F90]  }
0x1a: {  	s8 =	sadd.s32 $0xFFFFE003, lr  }
0x1b: {  	s9 =	sadd.s32 $0xFFFFFEF7, lr;
	s5 =	simm.s32 $0xFFFFFFFF;
	p2 =	slt.u32 s8, $0xFFFFF086  }
0x1c: {  	p1 =	slt.u32 s9, $0xF7A;
	s5 =	simm.s32 @!p2 $0x0  }
0x1d: {  	s5 =	simm.s32 @p1 $0x1;
	p0 =	seq.s32 s7, s2  }
0x1e: {  	s7 =	smul.u32 @!p0 $0xF7A, s2;
	p2 =	seq.s32 @!p0 s5, $0x0  }
0x1f: {  	s9 =	smul.u32 $0xF7A, s1;
	s8 =	simm.s32 @!p0 $0x1BF5;
	p2 =	por !p2, p0  }
0x20: {  	[sflag:s8] =	ssyncset.s32 @!p0 $0xFFFFF086;
	s6 =	sadd.s32 @!p0 s3, s7;
	s7 =	simm.s32 @!p0 $0x108  }
0x21: {  	s3 =	sadd.s32 s3, s9;
	s6 =	sadd.s32 @!p0 $0x88, s6;
	s7 =	simm.s32 @p2 $0x1082  }
0x22: {  	[simem:s7], [sflag:s8] =	dma.local @!p0 [hbm:s6], $0xF7A  }
0x23: {  	s9 =	sor.u32 $0xD0000000, s2;
	s6 =	simm.s32 $0x108;
	_ =	swait.ge @!p0 [sflag:s8], $0x0  }
0x24: {  	s3 =	sadd.s32 $0x88, s3;
	s6 =	simm.s32 @!p1 $0x1082;
	[sflag:s4] =	ssyncset.s32 $0xFFFFF086  }
0x25: {  	[simem:s6], [sflag:s4] =	dma.local [hbm:s3], $0xF7A  }
0x26: {  	[smem:$0x3F90] =	sst s1;
	(tag) =	ssettag s2;
	_ =	strace s9  }
0x27: {  	s1 =	sld [smem:$0x3FA0]  }
0x28: {  	s2 =	sld [smem:$0x3FA1]  }
0x29: {  	s4 =	sld [smem:$0x3FA3]  }
0x2a: {  	p0 =	seq.s32 s5, $0x0;
	s5 =	sld [smem:$0x3FA4]  }
0x2b: {  	s6 =	sld [smem:$0x3FA5]  }
0x2c: {  	s7 =	sld [smem:$0x3FA6]  }
0x2d: {  	s3 =	simm.s32 $0x108;
	s8 =	sld [smem:$0x3FA7]  }
0x2e: {  	s3 =	simm.s32 @!p0 $0x1082;
	s9 =	sld [smem:$0x3FA8]  }
0x2f: {  	lr =	sadd.s32 s0, s3;
	s0 =	sld [smem:$0x3F9F]  }
0x30: {  	s3 =	sld [smem:$0x3FA2]  }
0x31: {  	[smem:$0x3FAB] =	sst s10  }
0x32: {  	s10 =	sld [smem:$0x3FA9];
	_ =	sdelay $0x3  }
0x33: {  	p0 =	seq.s32 s10, $0x1;
	s10 =	sld [smem:$0x3FAB];
	_ =	sdelay $0x3  }
0x34: {  	[smem:$0x3FAB] =	sst s10  }
0x35: {  	s10 =	sld [smem:$0x3FAA];
	_ =	sdelay $0x3  }
0x36: {  	p1 =	seq.s32 s10, $0x1;
	s10 =	sld [smem:$0x3FAB];
	_ =	sdelay $0x3  }
0x37: {  	[smem:$0x3FAB] =	sst s10  }
0x38: {  	s10 =	sld [smem:$0x3FAC]  }
0x39: {  	_ = 	snop;
	(pc) =	sbr.ind lr, $3  }
0x3a: {  	_ = 	snop  }
0x3b: {  	_ = 	snop  }
0x3c: {  	p2 =	seq.s32 s10, $0x1;
	s10 =	sld [smem:$0x3FAB]  }
0x3d: {  	_ =	shalt  }
0x3e: {  	_ =	shalt  }
0x3f: {  	_ =	shalt  }
0x40: {  	_ =	shalt  }
0x41: {  	_ =	shalt  }
0x42: {  	_ =	shalt  }
0x43: {  	_ =	shalt  }
0x44: {  	_ =	shalt  }
0x45: {  	_ =	shalt  }
0x46: {  	_ =	shalt  }
0x47: {  	_ =	shalt  }
0x48: {  	_ =	shalt  }
0x49: {  	_ =	shalt  }
0x4a: {  	_ =	shalt  }
0x4b: {  	_ =	shalt  }
0x4c: {  	_ =	shalt  }
0x4d: {  	_ =	shalt  }
0x4e: {  	_ =	shalt  }
0x4f: {  	_ =	shalt  }
0x50: {  	_ =	shalt  }
0x51: {  	_ =	shalt  }
0x52: {  	_ =	shalt  }
0x53: {  	_ =	shalt  }
0x54: {  	_ =	shalt  }
0x55: {  	_ =	shalt  }
0x56: {  	_ =	shalt  }
0x57: {  	_ =	shalt  }
0x58: {  	_ =	shalt  }
0x59: {  	_ =	shalt  }
0x5a: {  	_ =	shalt  }
0x5b: {  	_ =	shalt  }
0x5c: {  	_ =	shalt  }
0x5d: {  	_ =	shalt  }
0x5e: {  	_ =	shalt  }
0x5f: {  	_ =	shalt  }
0x60: {  	_ =	shalt  }
0x61: {  	_ =	shalt  }
0x62: {  	_ =	shalt  }
0x63: {  	_ =	shalt  }
0x64: {  	_ =	shalt  }
0x65: {  	_ =	shalt  }
0x66: {  	_ =	shalt  }
0x67: {  	_ =	shalt  }
0x68: {  	_ =	shalt  }
0x69: {  	_ =	shalt  }
0x6a: {  	_ =	shalt  }
0x6b: {  	_ =	shalt  }
0x6c: {  	_ =	shalt  }
0x6d: {  	_ =	shalt  }
0x6e: {  	_ =	shalt  }
0x6f: {  	_ =	shalt  }
0x70: {  	_ =	shalt  }
0x71: {  	_ =	shalt  }
0x72: {  	_ =	shalt  }
0x73: {  	_ =	shalt  }
0x74: {  	_ =	shalt  }
0x75: {  	_ =	shalt  }
0x76: {  	_ =	shalt  }
0x77: {  	_ =	shalt  }
0x78: {  	_ =	shalt  }
0x79: {  	_ =	shalt  }
0x7a: {  	_ =	shalt  }
0x7b: {  	_ =	shalt  }
0x7c: {  	_ =	shalt  }
0x7d: {  	_ =	shalt  }
0x7e: {  	_ =	shalt  }
0x7f: {  	_ =	shalt  }
0x80: {  	_ =	shalt  }
0x81: {  	_ =	shalt  }
0x82: {  	_ =	shalt  }
0x83: {  	_ =	shalt  }
0x84: {  	_ =	shalt  }
0x85: {  	_ =	shalt  }
0x86: {  	_ =	shalt  }
0x87: {  	_ =	shalt  }
.Lfunc_end0:
.L_simem_size_0:
called_computation.1_lowered:
.L_overlay_start_0:
0x88: {  	s2 =	sld [smem:$0x3FD9]  }
0x89: {  	s3 =	sld [smem:$0x3FFE];
	_ =	sdelay $0x1  }
0x8a: {  	s1 =	srdreg.scid  }
0x8b: {  	s0 =	sand.u32 $0x1, s1  }
0x8c: {  	s17 =	sshll.u32 s0, $0xA;
	s2 =	sadd.s32 s3, s2  }
0x8d: {  	s2 =	sadd.s32 s2, s17  }
0x8e: {  	[smem:$0x3FB7] =	sst s2  }
0x8f: {  	_ = 	snop  }
0x90: {  	(tm) =	ssettm $0x1  }
0x91: {  	s18 =	sld [smem:$0x3FFB];
	_ =	sdelay $0x3  }
0x92: {  	_ =	strace s18  }
0x93: {  	s2 =	sld [smem:$0x3FFC];
	_ =	sdelay $0x3  }
0x94: {  	_ =	strace s2  }
0x95: {  	s2 =	sld [smem:$0x3FFD];
	_ =	sdelay $0x3  }
0x96: {  	_ =	strace s2  }
0x97: {  	_ =	strace $0x8FFFFFFF  }
0x98: {  	s19 =	sld [smem:$0x3FDB];
	_ =	sdelay $0x1  }
0x99: {  	s20 =	simm.s32 $_scs_section_size  }
0x9a: {  	s4 =	simm.s32 $_size__tile_overlayer_lowered;
	s5 =	simm.s32 $_tile_overlayer_lowered  }
0x9b: {  	s6 =	simm.s32 $0x1BFF;
	s21 =	sshll.u32 s5, $0x1;
	s3 =	sadd.s32 s20, s19  }
0x9c: {  	s22 =	simm.s32 $0x0;
	s4 =	sshll.u32 s4, $0x1;
	s5 =	sadd.s32 s21, s3  }
0x9d: {  	[timem:s22], [sflag:s6] =	dma.local [hbm:s5], s4  }
0x9e: {  	_ =	swait.ge [sflag:s6], s4  }
0x9f: {  	s4 =	ssub.s32 $0x0, s4;
	[sflag:s6] =	ssyncset.done $0x0  }
0xa0: {  	[sflag:s6] =	ssyncadd.s32 s4;
	_ =	sdelay $0x1  }
0xa1: {  	s23 =	simm.s32 $0x1B8B  }
0xa2: {  	_ =	swait.ge [sflag:s23], $0x1  }
0xa3: {  	[sflag:s23] =	ssyncset.done $0x0  }
0xa4: {  	[sflag:s23] =	ssyncadd.s32 $0xFFFFFFFF  }
0xa5: {  	s4 =	sld [smem:$0x0]  }
0xa6: {  	s5 =	sand.u32 $0xFFFFFFFE, s1  }
0xa7: {  	p0 =	sne.s32 s1, s5  }
0xa8: {  	s5 =	sshll.u32 @p0 s5, $0xE  }
0xa9: {  	s5 =	sadd.s32 @p0 $0x11B8D, s5;
	s6 =	sshll.u32 @p0 s4, $0x11  }
0xaa: {  	s5 =	sor.u32 @p0 s6, s5  }
0xab: {  	[sflag:s5] =	ssyncadd.remote.s32 @p0 $0x1;
	_ =	sdelay $0x1  }
0xac: {  	s5 =	simm.s32 @p0 $0x1B8D  }
0xad: {  	_ =	swait.eq @p0 [sflag:s5], $0x1  }
0xae: {  	[sflag:s5] =	ssyncadd.s32 @p0 $0xFFFFFFFF  }
0xaf: {  	s6 =	sshll.u32 @!p0 s1, $0xE  }
0xb0: {  	s6 =	sor.u32 @!p0 $0x4000, s6;
	s5 =	simm.s32 @!p0 $0x1B8D  }
0xb1: {  	s4 =	sshll.u32 @!p0 s4, $0x11;
	s6 =	sadd.s32 @!p0 $0x11B8D, s6;
	_ =	swait.eq @!p0 [sflag:s5], $0x1  }
0xb2: {  	s4 =	sor.u32 @!p0 s4, s6;
	[sflag:s5] =	ssyncadd.s32 @!p0 $0xFFFFFFFF  }
0xb3: {  	s25 =	simm.s32 $0x1B8E;
	s24 =	sld [smem:$0x3FFE];
	[sflag:s4] =	ssyncadd.remote.s32 @!p0 $0x1  }
0xb4: {  	s26 =	simm.s32 $execute0_lowered;
	[smem:$0x3FD2] =	sst s25  }
0xb5: {  	s5 =	sshll.u32 s26, $0x1;
	_ =	strace $0x80000049;
	[dreg:$0x1] =	wrdreg $0xFFFFFFFF  }
0xb6: {  	s28 =	simm.s32 $_size_execute0_lowered;
	s3 =	sadd.s32 s3, s5;
	[dreg:$0x0] =	wrdreg $0x0  }
0xb7: {  	s5 =	sshll.u32 s28, $0x1;
	[dreg:$0x2] =	wrdreg s3  }
0xb8: {  	[dreg:$0x3] =	wrdreg s5  }
0xb9: {  	[dreg:$0x4] =	wrdreg $0xC0  }
0xba: {  	_ =	task [dreg:s22], $0x5FFFF  }
0xbb: {  	[dreg:$0x1] =	wrdreg $0xFFFFFFFF  }
0xbc: {  	[dreg:$0x0] =	wrdreg $0x60  }
0xbd: {  	[dreg:$0x2] =	wrdreg s24  }
0xbe: {  	[dreg:$0x3] =	wrdreg $0xA  }
0xbf: {  	_ =	task.clear_ibuf [dreg:s22], $0x4FFFF;
	_ =	strace $0x90000049  }
0xc0: {  	s29 =	simm.s32 $0xA;
	_ =	strace $0x8000004B  }
0xc1: {  	_ =	swait.ge [sflag:s29], $0x1  }
0xc2: {  	[sflag:s29] =	ssyncadd.s32 $0xFFFFFFFF  }
0xc3: {  	_ =	strace $0x9000004B  }
0xc4: {  	_ =	sfence  }
0xc5: {  	s30 =	sld [smem:$0x0];
	_ =	sdelay $0x2  }
0xc6: {  	s31 =	sshll.u32 s1, $0xD;
	s1 =	sshrl.u32 s1, $0x2  }
0xc7: {  	s4 =	sand.u32 $0x4000, s31;
	s1 =	sadd.s32 s1, s30  }
0xc8: {  	s0 =	sor.u32 s4, s0;
	s1 =	sshll.u32 s1, $0x11  }
0xc9: {  	s0 =	sor.u32 s1, s0  }
0xca: {  	s0 =	sadd.s32 $0x8F2B, s0  }
0xcb: {  	[sflag:s0] =	ssyncadd.remote.s32 $0x1  }
0xcc: {  	_ =	sfence.sel $0xFFFF  }
0xcd: {  	[dreg:$0x0] =	wrdreg $0xFFFFFFFF;
	(pc) =	sbr.abs _section_cstart, $3  }
0xce: {  	[dreg:$0x1] =	wrdreg $0xFFFFFFFF  }
0xcf: {  	_ =	task.clear_ibuf [dreg:s22], $0x2FFFF;
	_ =	strace $0x9FFFFFFF  }
0xd0: {  	(tm) =	ssettm $0x7FFFFFFF  }
0xd1: {  	_ =	shalt  }
tec
execute0_lowered:
.L_overlay_start_1:
0x0: {  	(tag) =	ssettag $0x1  }
0x1: {  	s1 =	stileid.u32  }
0x2: {  	p0 =	sgt.u32 s1, $0xC  }
.Ltmp0:
0x3: {  	_ = 	snop;
	(pc) =	sbr.rel @p0 .LBB2_4-.Ltmp0, $4  }
0x4: {  	_ = 	snop  }
0x5: {  	s8 =	rddreg [dreg:$0x0];
	s2 =	simm.s32 $0x0  }
0x6: {  	[smem:$0x7FF] =	sst s2  }
0x7: {  	s0 =	rddreg [dreg:$0x1];
	_ =	strace $0x8000004A  }
0x8: {  	s3 =	srdreg.scid  }
0x9: {  	s29 =	sshll.u32 s1, $0x1;
	s6 =	sand.u32 $0x1, s3  }
0xa: {  	s4 =	sadd.s32 $0x2600, s8;
	s7 =	simm.s32 $0x1;
	s3 =	sor.u32 s6, s29  }
0xb: {  	s10 =	ssub.s32 $0x2, s6;
	s6 =	simm.s32 $0x1000;
	s9 =	sshll.u32 s3, $0x9  }
0xc: {  	s5 =	smul.u32 $0x30D4, s3;
	s3 =	simm.s32 $0x2;
	s4 =	sadd.s32 s4, s9  }
0xd: {  	[tilespmem:s2], [sflag:$0x2] =	stream.linear.gather [hbm4b:s4+s2], $0x1000, $0x38;
	[tilespmem:$0x2000] =	vst v63  }
0xe: {  	s11 =	sshrl.u32 s10, $0x1;
	s30 =	sadd.s32 s9, s8;
	_ =	swait.ge [sflag:s3], $0x1000  }
0xf: {  	s31 =	ssub.s32 s10, s11;
	s5 =	sadd.s32 s5, s8;
	[sflag:s3] =	ssyncset.done $0x0  }
0x10: {  	s9 =	smax.u32 s31, $0x1;
	s5 =	sadd.s32 $0x52F400, s5;
	[sflag:s3] =	ssyncadd.s32 $0xFFFFF000  }
0x11: {  	[tilespmem:s6], [sflag:$0x1] =	stream.indirect.gather [hbm4b:s5+s6], $0x1, s2, s6, $0xb8;
	[tilespmem:$0x2000] =	vst v63  }
0x12: {  	p0 =	sne.s32 s9, $0x1;
	_ =	swait.ge [sflag:s7], $0x1000  }
.Ltmp1:
0x13: {  	[sflag:s7] =	ssyncset.done $0x0;
	(pc) =	sbr.rel @!p0 .LBB2_3-.Ltmp1, $4  }
0x14: {  	s8 =	sadd.s32 $0x57EA00, s30;
	[sflag:s7] =	ssyncadd.s32 $0xFFFFF000  }
0x15: {  	[hbm4b:s8+s2] =	stream.linear.scatter [tilespmem:s6], [sflag:$0x2], $0x1000, $0x38;
	[tilespmem:$0x2000] =	vst v63  }
0x16: {  	_ =	swait.ge [sflag:s3], $0x1000  }
0x17: {  	s9 =	sadd.s32 $0xFFFFFFFF, s9;
	[sflag:s3] =	ssyncset.done $0x0  }
.LBB2_2:
0x18: {  	p0 =	sne.s32 s9, $0x1;
	s9 =	sadd.s32 $0xFFFFFFFF, s9;
	[sflag:s3] =	ssyncadd.s32 $0xFFFFF000  }
0x19: {  	[tilespmem:s2], [sflag:$0x2] =	stream.linear.gather [hbm4b:s4+s2], $0x1000, $0x38;
	[tilespmem:$0x2000] =	vst v63  }
0x1a: {  	_ =	swait.ge [sflag:s3], $0x1000  }
0x1b: {  	[sflag:s3] =	ssyncset.done $0x0  }
0x1c: {  	[sflag:s3] =	ssyncadd.s32 $0xFFFFF000  }
0x1d: {  	[tilespmem:s6], [sflag:$0x1] =	stream.indirect.gather [hbm4b:s5+s6], $0x1, s2, s6, $0xb8;
	[tilespmem:$0x2000] =	vst v63  }
0x1e: {  	_ =	swait.ge [sflag:s7], $0x1000  }
.Ltmp2:
0x1f: {  	[sflag:s7] =	ssyncset.done $0x0;
	(pc) =	sbr.rel @p0 .LBB2_2-.Ltmp2, $4  }
0x20: {  	[sflag:s7] =	ssyncadd.s32 $0xFFFFF000  }
0x21: {  	[hbm4b:s8+s2] =	stream.linear.scatter [tilespmem:s6], [sflag:$0x2], $0x1000, $0x38;
	[tilespmem:$0x2000] =	vst v63  }
0x22: {  	_ =	swait.ge [sflag:s3], $0x1000  }
0x23: {  	[sflag:s3] =	ssyncset.done $0x0  }
.LBB2_3:
0x24: {  	[sflag:s3] =	ssyncadd.s32 $0xFFFFF000  }
.LBB2_4:
0x25: {  	_ =	sfence.sel $0x180000  }
0x26: {  	[bflag:$0x0] =	sbarrier.arrive $0xFFFF  }
0x27: {  	p0 =	sne.s32 s1, $0x0;
	_ =	strace $0x9000004A  }
0x28: {  	s0 =	sadd.s32 @!p0 $0x100000, s0;
	[bflag:$0x2] =	sbarrier.arrive $0xFFFF  }
0x29: {  	[sflag:s0] =	ssyncadd.tile.s32 @!p0 $0x1;
	_ =	shalt  }
.Lfunc_end2:
_tile_overlayer_lowered:
.L_overlay_start_2:
0x2a: {  	(tag) =	ssettag $0x2  }
0x2b: {  	s0 =	rddreg [dreg:$0x0];
	s2 =	stileid.u32  }
0x2c: {  	s1 =	rddreg [dreg:$0x1];
	p0 =	sne.s32 s2, $0x0  }
0x2d: {  	s3 =	rddreg [dreg:$0x2];
	[bflag:$0x3] =	sbarrier.arrive $0xFFFF;
	s2 =	simm.s32 @!p0 $0x1C02  }
0x2e: {  	[timem:s3], [sflag:s2] =	dma.local @!p0 [hbm:s0], s1  }
0x2f: {  	s0 =	simm.s32 @!p0 $0x2  }
0x30: {  	_ =	swait.ge @!p0 [sflag:s0], s1  }
0x31: {  	s1 =	ssub.s32 @!p0 $0x0, s1;
	[sflag:s0] =	ssyncset.done @!p0 $0x0  }
0x32: {  	[sflag:s0] =	ssyncadd.s32 @!p0 s1  }
0x33: {  	[bflag:$0x3] =	sbarrier.arrive $0xFFFF  }
0x34: {  	_ =	shalt  }

</sc_bundles>
